<compile_context>
chip_gen: v7x
topology: tpu7x:2x2x1
jax: 0.10.2.dev20260603
libtpu: 0.0.44.dev20260713+nightly
codegen_flags: <defaults>
</compile_context>

<pallas_src>
import functools

import jax
import jax.numpy as jnp
from jax import lax
from jax.experimental import pallas as pl
from jax.experimental.pallas import tpu as pltpu
from jax.experimental.pallas import tpu_sc as plsc

B = 16384
P = 512
J = 4096
NM = 512
NJ = 1024
NL = 512

NC = 2
NS = 16
NW = NC * NS
L = 16

ROWS_PER_W = B // NW
R = 8
NG = ROWS_PER_W // R

CF_MMW = 0
CF_MMM = CF_MMW + NM
CF_MMH = CF_MMM + NM
CF_JW = CF_MMH + NM
CF_JM = CF_JW + NJ
CF_JH = CF_JM + NJ
CF_LS = CF_JH + NJ
CF_LO = CF_LS + NL
CF_LW = CF_LO + NL
CF_RMIN = CF_LW + NL
CF_RMAX = CF_RMIN + NL
CF_TOT = CF_RMAX + NL

CI_MM = 0
CI_J = CI_MM + NM
CI_LR = CI_J + NJ
CI_LT = CI_LR + NL
CI_TOT = CI_LT + NL


def _sc_partials(jp_flat, mp_flat, cf, ci):
    mesh = plsc.VectorSubcoreMesh(core_axis_name="c", subcore_axis_name="s")

    @functools.partial(
        pl.kernel,
        mesh=mesh,
        out_type=jax.ShapeDtypeStruct((NW * L,), jnp.float32),
        compiler_params=pltpu.CompilerParams(needs_layout_passes=False),
        scratch_types=[
            pltpu.VMEM((2 * R * J,), jnp.float32),
            pltpu.VMEM((2 * R * P,), jnp.float32),
            pltpu.VMEM((CF_TOT,), jnp.float32),
            pltpu.VMEM((CI_TOT,), jnp.int32),
            pltpu.VMEM((L,), jnp.float32),
            pltpu.SemaphoreType.DMA,
            pltpu.SemaphoreType.DMA,
            pltpu.SemaphoreType.DMA,
            pltpu.SemaphoreType.DMA,
        ],
    )
    def k(jp_hbm, mp_hbm, cf_hbm, ci_hbm, out_hbm, jbuf, mbuf, cfv, civ, accv,
          sj0, sj1, sm0, sm1):
        cid = lax.axis_index("c")
        sid = lax.axis_index("s")
        wid = sid * NC + cid
        base = wid * ROWS_PER_W
        jsems = (sj0, sj1)
        msems = (sm0, sm1)

        pltpu.sync_copy(cf_hbm, cfv)
        pltpu.sync_copy(ci_hbm, civ)

        def start_slot(g, slot):
            r0 = base + g * R
            pltpu.async_copy(jp_hbm.at[pl.ds(r0 * J, R * J)],
                             jbuf.at[pl.ds(slot * R * J, R * J)], jsems[slot])
            pltpu.async_copy(mp_hbm.at[pl.ds(r0 * P, R * P)],
                             mbuf.at[pl.ds(slot * R * P, R * P)], msems[slot])

        def wait_slot(slot):
            pltpu.make_async_copy(
                jp_hbm.at[pl.ds(0, R * J)],
                jbuf.at[pl.ds(slot * R * J, R * J)], jsems[slot]).wait()
            pltpu.make_async_copy(
                mp_hbm.at[pl.ds(0, R * P)],
                mbuf.at[pl.ds(slot * R * P, R * P)], msems[slot]).wait()

        def compute(slot, acc):
            joff = slot * R * J
            moff = slot * R * P

            def jchunk(c, acc):
                o = c * L
                idx = civ[pl.ds(CI_J + o, L)]
                w = cfv[pl.ds(CF_JW + o, L)]
                wm = cfv[pl.ds(CF_JM + o, L)]
                wh = cfv[pl.ds(CF_JH + o, L)]
                for r in range(R):
                    p = plsc.load_gather(jbuf, [idx + (joff + r * J)])
                    v = jnp.maximum(jnp.abs(p * w - wm) - wh, 0.0)
                    acc = acc + v * v
                return acc

            acc = lax.fori_loop(0, NJ // L, jchunk, acc)

            def mchunk(c, acc):
                o = c * L
                idx = civ[pl.ds(CI_MM + o, L)]
                w = cfv[pl.ds(CF_MMW + o, L)]
                wm = cfv[pl.ds(CF_MMM + o, L)]
                wh = cfv[pl.ds(CF_MMH + o, L)]
                for r in range(R):
                    p = plsc.load_gather(mbuf, [idx + (moff + r * P)])
                    v = jnp.maximum(jnp.abs(p * w - wm) - wh, 0.0)
                    acc = acc + v * v
                return acc

            acc = lax.fori_loop(0, NM // L, mchunk, acc)

            def lchunk(c, acc):
                o = c * L
                ridx = civ[pl.ds(CI_LR + o, L)]
                tidx = civ[pl.ds(CI_LT + o, L)]
                ws = cfv[pl.ds(CF_LS + o, L)]
                wo = cfv[pl.ds(CF_LO + o, L)]
                lw = cfv[pl.ds(CF_LW + o, L)]
                rmn = cfv[pl.ds(CF_RMIN + o, L)]
                rmx = cfv[pl.ds(CF_RMAX + o, L)]
                for r in range(R):
                    rf = plsc.load_gather(mbuf, [ridx + (moff + r * P)])
                    tg = plsc.load_gather(mbuf, [tidx + (moff + r * P)])
                    d = rf * ws - wo - tg * lw
                    act = (rf >= rmn) & (rf <= rmx)
                    dd = jnp.where(act, d, 0.0)
                    acc = acc + dd * dd
                return acc

            acc = lax.fori_loop(0, NL // L, lchunk, acc)
            return acc

        start_slot(0, 0)

        def pair(i, acc):
            g = 2 * i
            start_slot(g + 1, 1)
            wait_slot(0)
            acc = compute(0, acc)

            @pl.when(g + 2 < NG)
            def _():
                start_slot(g + 2, 0)

            wait_slot(1)
            acc = compute(1, acc)
            return acc

        acc = lax.fori_loop(0, NG // 2, pair, jnp.zeros((L,), jnp.float32))
        accv[...] = acc
        pltpu.sync_copy(accv, out_hbm.at[pl.ds(wid * L, L)])

    return k(jp_flat, mp_flat, cf, ci)


def kernel(model_parameters, joint_parameters, minmax_min, minmax_max,
           minmax_weight, minmaxjoint_min, minmaxjoint_max,
           minmaxjoint_weight, linear_scale, linear_offset, linear_weight,
           linear_range_min, linear_range_max, minmax_parameter_index,
           minmaxjoint_index, linear_refidx, linear_targetidx):
    f32 = jnp.float32
    mm_w = minmax_weight.astype(f32)
    mm_wm = mm_w * 0.5 * (minmax_min + minmax_max)
    mm_wh = mm_w * 0.5 * (minmax_max - minmax_min)
    j_w = minmaxjoint_weight.astype(f32)
    j_wm = j_w * 0.5 * (minmaxjoint_min + minmaxjoint_max)
    j_wh = j_w * 0.5 * (minmaxjoint_max - minmaxjoint_min)
    l_ws = linear_weight * linear_scale
    l_wo = linear_weight * linear_offset
    l_w = linear_weight.astype(f32)

    cf = jnp.concatenate([
        mm_w, mm_wm, mm_wh,
        j_w, j_wm, j_wh,
        l_ws, l_wo, l_w,
        linear_range_min.astype(f32), linear_range_max.astype(f32),
    ]).astype(f32)
    ci = jnp.concatenate([
        minmax_parameter_index, minmaxjoint_index,
        linear_refidx, linear_targetidx,
    ]).astype(jnp.int32)

    partials = _sc_partials(
        joint_parameters.reshape(B * J),
        model_parameters.reshape(B * P),
        cf, ci,
    )
    return jnp.sum(partials)

# --- scband reference (transcript-rebuilt; emitter-appended) ---
"""Pipeline reference for scband-parameter-limits-38405597560856 (READ-ONLY COPY).

The authoritative reference and input builder live on the scoring server;
editing this copy changes nothing except your own understanding.
"""

import jax, jax.numpy as jnp
import numpy as np

B = 16384
P = 512
J = 4096
NM = 512
NJ = 1024
NL = 512


def setup_inputs(seed: int = 0) -> dict:
    key = jax.random.key(seed)
    ks = jax.random.split(key, 12)
    model_parameters = jax.random.normal(ks[0], (B, P), dtype=jnp.float32)
    joint_parameters = jax.random.normal(ks[1], (B, J), dtype=jnp.float32)
    base = jax.random.normal(ks[2], (NM,), dtype=jnp.float32)
    minmax_min = base - 1.0
    minmax_max = base + 1.0
    minmax_weight = jnp.sqrt(10.0 * jax.random.uniform(ks[3], (NM,), minval=0.5, maxval=1.5)).astype(jnp.float32)
    minmax_parameter_index = jax.random.randint(ks[4], (NM,), 0, P)
    jbase = jax.random.normal(ks[5], (NJ,), dtype=jnp.float32)
    minmaxjoint_min = jbase - 1.0
    minmaxjoint_max = jbase + 1.0
    minmaxjoint_weight = jnp.sqrt(10.0 * jax.random.uniform(ks[6], (NJ,), minval=0.5, maxval=1.5)).astype(jnp.float32)
    minmaxjoint_index = jax.random.randint(ks[7], (NJ,), 0, J)
    linear_refidx = jax.random.randint(ks[8], (NL,), 0, P)
    linear_targetidx = jax.random.randint(ks[9], (NL,), 0, P)
    linear_scale = jax.random.normal(ks[10], (NL,), dtype=jnp.float32)
    linear_offset = 0.1 * jax.random.normal(ks[11], (NL,), dtype=jnp.float32)
    linear_weight = jnp.sqrt(10.0 * jnp.ones((NL,), dtype=jnp.float32))
    linear_range_min = jnp.full((NL,), -1.5, dtype=jnp.float32)
    linear_range_max = jnp.full((NL,), 1.5, dtype=jnp.float32)
    return {
        'model_parameters': model_parameters,
        'joint_parameters': joint_parameters,
        'minmax_min': minmax_min,
        'minmax_max': minmax_max,
        'minmax_weight': minmax_weight,
        'minmaxjoint_min': minmaxjoint_min,
        'minmaxjoint_max': minmaxjoint_max,
        'minmaxjoint_weight': minmaxjoint_weight,
        'linear_scale': linear_scale,
        'linear_offset': linear_offset,
        'linear_weight': linear_weight,
        'linear_range_min': linear_range_min,
        'linear_range_max': linear_range_max,
        'minmax_parameter_index': minmax_parameter_index,
        'minmaxjoint_index': minmaxjoint_index,
        'linear_refidx': linear_refidx,
        'linear_targetidx': linear_targetidx,
    }


def reference(model_parameters, joint_parameters, minmax_min, minmax_max, minmax_weight,
              minmaxjoint_min, minmaxjoint_max, minmaxjoint_weight,
              linear_scale, linear_offset, linear_weight, linear_range_min, linear_range_max,
              minmax_parameter_index, minmaxjoint_index, linear_refidx, linear_targetidx):
    # MinMax limits on model parameters: residual is the (weighted) violation distance
    p = jnp.take(model_parameters, minmax_parameter_index, axis=1)
    r_mm = jnp.where(p < minmax_min[None, :], p - minmax_min[None, :],
                     jnp.where(p > minmax_max[None, :], p - minmax_max[None, :], 0.0)) * minmax_weight[None, :]
    # MinMaxJoint limits on joint parameters
    pj = jnp.take(joint_parameters, minmaxjoint_index, axis=1)
    r_mmj = jnp.where(pj < minmaxjoint_min[None, :], pj - minmaxjoint_min[None, :],
                      jnp.where(pj > minmaxjoint_max[None, :], pj - minmaxjoint_max[None, :], 0.0)) * minmaxjoint_weight[None, :]
    # Linear limits: target should track scale*ref - offset, active only when ref is in [range_min, range_max]
    ref = jnp.take(model_parameters, linear_refidx, axis=1)
    tgt = jnp.take(model_parameters, linear_targetidx, axis=1)
    active = ((ref >= linear_range_min[None, :]) & (ref <= linear_range_max[None, :])).astype(model_parameters.dtype)
    r_lin = (linear_scale[None, :] * ref - linear_offset[None, :] - tgt) * linear_weight[None, :] * active
    loss = jnp.sum(r_mm * r_mm) + jnp.sum(r_mmj * r_mmj) + jnp.sum(r_lin * r_lin)
    return loss

if __name__ == "__main__":
    import jax
    _d = setup_inputs()
    print(jax.jit(kernel)(*tuple(_d.values())))

</pallas_src>

<mosaic_0001>
#map = affine_map<(d0, d1) -> (0)>
module attributes {stable_mosaic.version = 14 : i64} {
  func.func @k(%arg0: i32, %arg1: i32, %arg2: memref<67108864xf32, #tpu.memory_space<hbm>>, %arg3: memref<8388608xf32, #tpu.memory_space<hbm>>, %arg4: memref<7168xf32, #tpu.memory_space<hbm>>, %arg5: memref<2560xi32, #tpu.memory_space<hbm>>, %arg6: memref<512xf32, #tpu.memory_space<hbm>>, %arg7: memref<65536xf32, #tpu.memory_space<vmem>>, %arg8: memref<8192xf32, #tpu.memory_space<vmem>>, %arg9: memref<7168xf32, #tpu.memory_space<vmem>>, %arg10: memref<2560xi32, #tpu.memory_space<vmem>>, %arg11: memref<16xf32, #tpu.memory_space<vmem>>, %arg12: memref<!tpu.dma_semaphore, #tpu.memory_space<semaphore_mem>>, %arg13: memref<!tpu.dma_semaphore, #tpu.memory_space<semaphore_mem>>, %arg14: memref<!tpu.dma_semaphore, #tpu.memory_space<semaphore_mem>>, %arg15: memref<!tpu.dma_semaphore, #tpu.memory_space<semaphore_mem>>) attributes {dimension_semantics = [#tpu.dimension_semantics<core_parallel>, #tpu.dimension_semantics<subcore_parallel>], iteration_bounds = array<i64: 2, 16>, scalar_prefetch = 0 : i64, scratch_operands = 9 : i64, tpu.core_type = #tpu.core_type<sc_vector_subcore>, window_params = [{transform_indices = #map}, {transform_indices = #map}, {transform_indices = #map}, {transform_indices = #map}, {transform_indices = #map}]} {
    %mul3A = arith.constant 2 : i32
    %mul3A_0 = arith.muli %arg1, %mul3A : i32
    %add3A = arith.addi %mul3A_0, %arg0 : i32
    %mul3A_1 = arith.constant 512 : i32
    %mul3A_2 = arith.muli %add3A, %mul3A_1 : i32
    "tpu.region"() ({
      %run_scoped3A = tpu.sem_alloc : memref<!tpu.dma_semaphore, #tpu.memory_space<semaphore_mem>>
      tpu.enqueue_dma source(%arg4 : memref<7168xf32, #tpu.memory_space<hbm>>) target(%arg9 : memref<7168xf32, #tpu.memory_space<vmem>>) target_semaphore(%run_scoped3A : memref<!tpu.dma_semaphore, #tpu.memory_space<semaphore_mem>>)
      tpu.wait_dma2 semaphore(%run_scoped3A : memref<!tpu.dma_semaphore, #tpu.memory_space<semaphore_mem>>) src(%arg4 : memref<7168xf32, #tpu.memory_space<hbm>>) dst(%arg9 : memref<7168xf32, #tpu.memory_space<vmem>>)
      tpu.yield
    }) : () -> ()
    "tpu.region"() ({
      %run_scoped3A = tpu.sem_alloc : memref<!tpu.dma_semaphore, #tpu.memory_space<semaphore_mem>>
      tpu.enqueue_dma source(%arg5 : memref<2560xi32, #tpu.memory_space<hbm>>) target(%arg10 : memref<2560xi32, #tpu.memory_space<vmem>>) target_semaphore(%run_scoped3A : memref<!tpu.dma_semaphore, #tpu.memory_space<semaphore_mem>>)
      tpu.wait_dma2 semaphore(%run_scoped3A : memref<!tpu.dma_semaphore, #tpu.memory_space<semaphore_mem>>) src(%arg5 : memref<2560xi32, #tpu.memory_space<hbm>>) dst(%arg10 : memref<2560xi32, #tpu.memory_space<vmem>>)
      tpu.yield
    }) : () -> ()
    %add3A_3 = arith.constant 0 : i32
    %add3A_4 = arith.addi %mul3A_2, %add3A_3 : i32
    %mul3A_5 = arith.constant 4096 : i32
    %mul3A_6 = arith.muli %add3A_4, %mul3A_5 : i32
    %dma_start3A = arith.constant 0 : i32
    %dma_start3A_7 = tpu.memref_slice %arg7[%dma_start3A] : memref<65536xf32, #tpu.memory_space<vmem>> -> memref<32768xf32, #tpu.memory_space<vmem>>
    %dma_start3A_8 = tpu.memref_slice %arg2[%mul3A_6] : memref<67108864xf32, #tpu.memory_space<hbm>> -> memref<32768xf32, #tpu.memory_space<hbm>>
    %dma_start3A_9 = arith.constant 0 : i32
    %dma_start3A_10 = tpu.memref_slice %arg7[%dma_start3A_9] : memref<65536xf32, #tpu.memory_space<vmem>> -> memref<32768xf32, #tpu.memory_space<vmem>>
    %dma_start3A_11 = tpu.memref_slice %arg2[%mul3A_6] : memref<67108864xf32, #tpu.memory_space<hbm>> -> memref<32768xf32, #tpu.memory_space<hbm>>
    tpu.enqueue_dma source(%dma_start3A_11 : memref<32768xf32, #tpu.memory_space<hbm>>) target(%dma_start3A_10 : memref<32768xf32, #tpu.memory_space<vmem>>) target_semaphore(%arg12 : memref<!tpu.dma_semaphore, #tpu.memory_space<semaphore_mem>>)
    %mul3A_12 = arith.constant 512 : i32
    %mul3A_13 = arith.muli %add3A_4, %mul3A_12 : i32
    %dma_start3A_14 = arith.constant 0 : i32
    %dma_start3A_15 = tpu.memref_slice %arg8[%dma_start3A_14] : memref<8192xf32, #tpu.memory_space<vmem>> -> memref<4096xf32, #tpu.memory_space<vmem>>
    %dma_start3A_16 = tpu.memref_slice %arg3[%mul3A_13] : memref<8388608xf32, #tpu.memory_space<hbm>> -> memref<4096xf32, #tpu.memory_space<hbm>>
    %dma_start3A_17 = arith.constant 0 : i32
    %dma_start3A_18 = tpu.memref_slice %arg8[%dma_start3A_17] : memref<8192xf32, #tpu.memory_space<vmem>> -> memref<4096xf32, #tpu.memory_space<vmem>>
    %dma_start3A_19 = tpu.memref_slice %arg3[%mul3A_13] : memref<8388608xf32, #tpu.memory_space<hbm>> -> memref<4096xf32, #tpu.memory_space<hbm>>
    tpu.enqueue_dma source(%dma_start3A_19 : memref<4096xf32, #tpu.memory_space<hbm>>) target(%dma_start3A_18 : memref<4096xf32, #tpu.memory_space<vmem>>) target_semaphore(%arg14 : memref<!tpu.dma_semaphore, #tpu.memory_space<semaphore_mem>>)
    %broadcast_in_dim3A = arith.constant 0.000000e+00 : f32
    %broadcast_in_dim3A_20 = vector.broadcast %broadcast_in_dim3A : f32 to vector<16xf32>
    %scan3A = arith.constant 0 : i32
    %scan3A_21 = arith.constant 32 : i32
    %scan3A_22 = arith.addi %scan3A, %scan3A_21 : i32
    %scan3A_23 = arith.constant 1 : i32
    %scan3A_24 = scf.for %scan3A_29 = %scan3A to %scan3A_22 step %scan3A_23 iter_args(%scan3A_30 = %broadcast_in_dim3A_20) -> (vector<16xf32>)  : i32 {
      %mul3A_31 = arith.constant 2 : i32
      %mul3A_32 = arith.muli %mul3A_31, %scan3A_29 : i32
      %add3A_33 = arith.constant 1 : i32
      %add3A_34 = arith.addi %mul3A_32, %add3A_33 : i32
      %mul3A_35 = arith.constant 8 : i32
      %mul3A_36 = arith.muli %add3A_34, %mul3A_35 : i32
      %add3A_37 = arith.addi %mul3A_2, %mul3A_36 : i32
      %mul3A_38 = arith.constant 4096 : i32
      %mul3A_39 = arith.muli %add3A_37, %mul3A_38 : i32
      %dma_start3A_40 = arith.constant 32768 : i32
      %dma_start3A_41 = tpu.memref_slice %arg7[%dma_start3A_40] : memref<65536xf32, #tpu.memory_space<vmem>> -> memref<32768xf32, #tpu.memory_space<vmem>>
      %dma_start3A_42 = tpu.memref_slice %arg2[%mul3A_39] : memref<67108864xf32, #tpu.memory_space<hbm>> -> memref<32768xf32, #tpu.memory_space<hbm>>
      %dma_start3A_43 = arith.constant 32768 : i32
      %dma_start3A_44 = tpu.memref_slice %arg7[%dma_start3A_43] : memref<65536xf32, #tpu.memory_space<vmem>> -> memref<32768xf32, #tpu.memory_space<vmem>>
      %dma_start3A_45 = tpu.memref_slice %arg2[%mul3A_39] : memref<67108864xf32, #tpu.memory_space<hbm>> -> memref<32768xf32, #tpu.memory_space<hbm>>
      tpu.enqueue_dma source(%dma_start3A_45 : memref<32768xf32, #tpu.memory_space<hbm>>) target(%dma_start3A_44 : memref<32768xf32, #tpu.memory_space<vmem>>) target_semaphore(%arg13 : memref<!tpu.dma_semaphore, #tpu.memory_space<semaphore_mem>>)
      %mul3A_46 = arith.constant 512 : i32
      %mul3A_47 = arith.muli %add3A_37, %mul3A_46 : i32
      %dma_start3A_48 = arith.constant 4096 : i32
      %dma_start3A_49 = tpu.memref_slice %arg8[%dma_start3A_48] : memref<8192xf32, #tpu.memory_space<vmem>> -> memref<4096xf32, #tpu.memory_space<vmem>>
      %dma_start3A_50 = tpu.memref_slice %arg3[%mul3A_47] : memref<8388608xf32, #tpu.memory_space<hbm>> -> memref<4096xf32, #tpu.memory_space<hbm>>
      %dma_start3A_51 = arith.constant 4096 : i32
      %dma_start3A_52 = tpu.memref_slice %arg8[%dma_start3A_51] : memref<8192xf32, #tpu.memory_space<vmem>> -> memref<4096xf32, #tpu.memory_space<vmem>>
      %dma_start3A_53 = tpu.memref_slice %arg3[%mul3A_47] : memref<8388608xf32, #tpu.memory_space<hbm>> -> memref<4096xf32, #tpu.memory_space<hbm>>
      tpu.enqueue_dma source(%dma_start3A_53 : memref<4096xf32, #tpu.memory_space<hbm>>) target(%dma_start3A_52 : memref<4096xf32, #tpu.memory_space<vmem>>) target_semaphore(%arg15 : memref<!tpu.dma_semaphore, #tpu.memory_space<semaphore_mem>>)
      %dma_wait3A = arith.constant 0 : i32
      %dma_wait3A_54 = tpu.memref_slice %arg7[%dma_wait3A] : memref<65536xf32, #tpu.memory_space<vmem>> -> memref<32768xf32, #tpu.memory_space<vmem>>
      %dma_wait3A_55 = arith.constant 0 : i32
      %dma_wait3A_56 = tpu.memref_slice %arg2[%dma_wait3A_55] : memref<67108864xf32, #tpu.memory_space<hbm>> -> memref<32768xf32, #tpu.memory_space<hbm>>
      %dma_wait3A_57 = arith.constant 0 : i32
      %dma_wait3A_58 = tpu.memref_slice %arg7[%dma_wait3A_57] : memref<65536xf32, #tpu.memory_space<vmem>> -> memref<32768xf32, #tpu.memory_space<vmem>>
      %dma_wait3A_59 = arith.constant 0 : i32
      %dma_wait3A_60 = tpu.memref_slice %arg2[%dma_wait3A_59] : memref<67108864xf32, #tpu.memory_space<hbm>> -> memref<32768xf32, #tpu.memory_space<hbm>>
      tpu.wait_dma2 semaphore(%arg12 : memref<!tpu.dma_semaphore, #tpu.memory_space<semaphore_mem>>) src(%dma_wait3A_60 : memref<32768xf32, #tpu.memory_space<hbm>>) dst(%dma_wait3A_58 : memref<32768xf32, #tpu.memory_space<vmem>>)
      %dma_wait3A_61 = arith.constant 0 : i32
      %dma_wait3A_62 = tpu.memref_slice %arg8[%dma_wait3A_61] : memref<8192xf32, #tpu.memory_space<vmem>> -> memref<4096xf32, #tpu.memory_space<vmem>>
      %dma_wait3A_63 = arith.constant 0 : i32
      %dma_wait3A_64 = tpu.memref_slice %arg3[%dma_wait3A_63] : memref<8388608xf32, #tpu.memory_space<hbm>> -> memref<4096xf32, #tpu.memory_space<hbm>>
      %dma_wait3A_65 = arith.constant 0 : i32
      %dma_wait3A_66 = tpu.memref_slice %arg8[%dma_wait3A_65] : memref<8192xf32, #tpu.memory_space<vmem>> -> memref<4096xf32, #tpu.memory_space<vmem>>
      %dma_wait3A_67 = arith.constant 0 : i32
      %dma_wait3A_68 = tpu.memref_slice %arg3[%dma_wait3A_67] : memref<8388608xf32, #tpu.memory_space<hbm>> -> memref<4096xf32, #tpu.memory_space<hbm>>
      tpu.wait_dma2 semaphore(%arg14 : memref<!tpu.dma_semaphore, #tpu.memory_space<semaphore_mem>>) src(%dma_wait3A_68 : memref<4096xf32, #tpu.memory_space<hbm>>) dst(%dma_wait3A_66 : memref<4096xf32, #tpu.memory_space<vmem>>)
      %scan3A_69 = arith.constant 0 : i32
      %scan3A_70 = arith.constant 64 : i32
      %scan3A_71 = arith.addi %scan3A_69, %scan3A_70 : i32
      %scan3A_72 = arith.constant 1 : i32
      %scan3A_73 = scf.for %scan3A_125 = %scan3A_69 to %scan3A_71 step %scan3A_72 iter_args(%scan3A_126 = %scan3A_30) -> (vector<16xf32>)  : i32 {
        %mul3A_127 = arith.constant 16 : i32
        %mul3A_128 = arith.muli %scan3A_125, %mul3A_127 : i32
        %add3A_129 = arith.constant 512 : i32
        %add3A_130 = arith.addi %add3A_129, %mul3A_128 : i32
        %get3A = arith.index_cast %add3A_130 : i32 to index
        %get3A_131 = tpu.vector_load %arg10[%get3A] {strides = array<i32>} : memref<2560xi32, #tpu.memory_space<vmem>>, vector<16xi32>,
        %add3A_132 = arith.constant 1536 : i32
        %add3A_133 = arith.addi %add3A_132, %mul3A_128 : i32
        %get3A_134 = arith.index_cast %add3A_133 : i32 to index
        %get3A_135 = tpu.vector_load %arg9[%get3A_134] {strides = array<i32>} : memref<7168xf32, #tpu.memory_space<vmem>>, vector<16xf32>,
        %add3A_136 = arith.constant 2560 : i32
        %add3A_137 = arith.addi %add3A_136, %mul3A_128 : i32
        %get3A_138 = arith.index_cast %add3A_137 : i32 to index
        %get3A_139 = tpu.vector_load %arg9[%get3A_138] {strides = array<i32>} : memref<7168xf32, #tpu.memory_space<vmem>>, vector<16xf32>,
        %add3A_140 = arith.constant 3584 : i32
        %add3A_141 = arith.addi %add3A_140, %mul3A_128 : i32
        %get3A_142 = arith.index_cast %add3A_141 : i32 to index
        %get3A_143 = tpu.vector_load %arg9[%get3A_142] {strides = array<i32>} : memref<7168xf32, #tpu.memory_space<vmem>>, vector<16xf32>,
        %add3A_144 = arith.constant 0 : i32
        %add3A_145 = vector.broadcast %add3A_144 : i32 to vector<16xi32>
        %add3A_146 = arith.addi %get3A_131, %add3A_145 : vector<16xi32>
        %gather3A = tpu.vector_load_idx %arg7[%add3A_146] : memref<65536xf32, #tpu.memory_space<vmem>>[vector<16xi32>], vector<16xf32>,
        %mul3A_147 = arith.mulf %gather3A, %get3A_135 : vector<16xf32>
        %sub3A = arith.subf %mul3A_147, %get3A_139 : vector<16xf32>
        %abs3A = math.absf %sub3A : vector<16xf32>
        %sub3A_148 = arith.subf %abs3A, %get3A_143 : vector<16xf32>
        %max3A = arith.constant 0.000000e+00 : f32
        %max3A_149 = vector.broadcast %max3A : f32 to vector<16xf32>
        %max3A_150 = arith.maximumf %sub3A_148, %max3A_149 : vector<16xf32>
        %mul3A_151 = arith.mulf %max3A_150, %max3A_150 : vector<16xf32>
        %add3A_152 = arith.addf %scan3A_126, %mul3A_151 : vector<16xf32>
        %add3A_153 = arith.constant 4096 : i32
        %add3A_154 = vector.broadcast %add3A_153 : i32 to vector<16xi32>
        %add3A_155 = arith.addi %get3A_131, %add3A_154 : vector<16xi32>
        %gather3A_156 = tpu.vector_load_idx %arg7[%add3A_155] : memref<65536xf32, #tpu.memory_space<vmem>>[vector<16xi32>], vector<16xf32>,
        %mul3A_157 = arith.mulf %gather3A_156, %get3A_135 : vector<16xf32>
        %sub3A_158 = arith.subf %mul3A_157, %get3A_139 : vector<16xf32>
        %abs3A_159 = math.absf %sub3A_158 : vector<16xf32>
        %sub3A_160 = arith.subf %abs3A_159, %get3A_143 : vector<16xf32>
        %max3A_161 = arith.constant 0.000000e+00 : f32
        %max3A_162 = vector.broadcast %max3A_161 : f32 to vector<16xf32>
        %max3A_163 = arith.maximumf %sub3A_160, %max3A_162 : vector<16xf32>
        %mul3A_164 = arith.mulf %max3A_163, %max3A_163 : vector<16xf32>
        %add3A_165 = arith.addf %add3A_152, %mul3A_164 : vector<16xf32>
        %add3A_166 = arith.constant 8192 : i32
        %add3A_167 = vector.broadcast %add3A_166 : i32 to vector<16xi32>
        %add3A_168 = arith.addi %get3A_131, %add3A_167 : vector<16xi32>
        %gather3A_169 = tpu.vector_load_idx %arg7[%add3A_168] : memref<65536xf32, #tpu.memory_space<vmem>>[vector<16xi32>], vector<16xf32>,
        %mul3A_170 = arith.mulf %gather3A_169, %get3A_135 : vector<16xf32>
        %sub3A_171 = arith.subf %mul3A_170, %get3A_139 : vector<16xf32>
        %abs3A_172 = math.absf %sub3A_171 : vector<16xf32>
        %sub3A_173 = arith.subf %abs3A_172, %get3A_143 : vector<16xf32>
        %max3A_174 = arith.constant 0.000000e+00 : f32
        %max3A_175 = vector.broadcast %max3A_174 : f32 to vector<16xf32>
        %max3A_176 = arith.maximumf %sub3A_173, %max3A_175 : vector<16xf32>
        %mul3A_177 = arith.mulf %max3A_176, %max3A_176 : vector<16xf32>
        %add3A_178 = arith.addf %add3A_165, %mul3A_177 : vector<16xf32>
        %add3A_179 = arith.constant 12288 : i32
        %add3A_180 = vector.broadcast %add3A_179 : i32 to vector<16xi32>
        %add3A_181 = arith.addi %get3A_131, %add3A_180 : vector<16xi32>
        %gather3A_182 = tpu.vector_load_idx %arg7[%add3A_181] : memref<65536xf32, #tpu.memory_space<vmem>>[vector<16xi32>], vector<16xf32>,
        %mul3A_183 = arith.mulf %gather3A_182, %get3A_135 : vector<16xf32>
        %sub3A_184 = arith.subf %mul3A_183, %get3A_139 : vector<16xf32>
        %abs3A_185 = math.absf %sub3A_184 : vector<16xf32>
        %sub3A_186 = arith.subf %abs3A_185, %get3A_143 : vector<16xf32>
        %max3A_187 = arith.constant 0.000000e+00 : f32
        %max3A_188 = vector.broadcast %max3A_187 : f32 to vector<16xf32>
        %max3A_189 = arith.maximumf %sub3A_186, %max3A_188 : vector<16xf32>
        %mul3A_190 = arith.mulf %max3A_189, %max3A_189 : vector<16xf32>
        %add3A_191 = arith.addf %add3A_178, %mul3A_190 : vector<16xf32>
        %add3A_192 = arith.constant 16384 : i32
        %add3A_193 = vector.broadcast %add3A_192 : i32 to vector<16xi32>
        %add3A_194 = arith.addi %get3A_131, %add3A_193 : vector<16xi32>
        %gather3A_195 = tpu.vector_load_idx %arg7[%add3A_194] : memref<65536xf32, #tpu.memory_space<vmem>>[vector<16xi32>], vector<16xf32>,
        %mul3A_196 = arith.mulf %gather3A_195, %get3A_135 : vector<16xf32>
        %sub3A_197 = arith.subf %mul3A_196, %get3A_139 : vector<16xf32>
        %abs3A_198 = math.absf %sub3A_197 : vector<16xf32>
        %sub3A_199 = arith.subf %abs3A_198, %get3A_143 : vector<16xf32>
        %max3A_200 = arith.constant 0.000000e+00 : f32
        %max3A_201 = vector.broadcast %max3A_200 : f32 to vector<16xf32>
        %max3A_202 = arith.maximumf %sub3A_199, %max3A_201 : vector<16xf32>
        %mul3A_203 = arith.mulf %max3A_202, %max3A_202 : vector<16xf32>
        %add3A_204 = arith.addf %add3A_191, %mul3A_203 : vector<16xf32>
        %add3A_205 = arith.constant 20480 : i32
        %add3A_206 = vector.broadcast %add3A_205 : i32 to vector<16xi32>
        %add3A_207 = arith.addi %get3A_131, %add3A_206 : vector<16xi32>
        %gather3A_208 = tpu.vector_load_idx %arg7[%add3A_207] : memref<65536xf32, #tpu.memory_space<vmem>>[vector<16xi32>], vector<16xf32>,
        %mul3A_209 = arith.mulf %gather3A_208, %get3A_135 : vector<16xf32>
        %sub3A_210 = arith.subf %mul3A_209, %get3A_139 : vector<16xf32>
        %abs3A_211 = math.absf %sub3A_210 : vector<16xf32>
        %sub3A_212 = arith.subf %abs3A_211, %get3A_143 : vector<16xf32>
        %max3A_213 = arith.constant 0.000000e+00 : f32
        %max3A_214 = vector.broadcast %max3A_213 : f32 to vector<16xf32>
        %max3A_215 = arith.maximumf %sub3A_212, %max3A_214 : vector<16xf32>
        %mul3A_216 = arith.mulf %max3A_215, %max3A_215 : vector<16xf32>
        %add3A_217 = arith.addf %add3A_204, %mul3A_216 : vector<16xf32>
        %add3A_218 = arith.constant 24576 : i32
        %add3A_219 = vector.broadcast %add3A_218 : i32 to vector<16xi32>
        %add3A_220 = arith.addi %get3A_131, %add3A_219 : vector<16xi32>
        %gather3A_221 = tpu.vector_load_idx %arg7[%add3A_220] : memref<65536xf32, #tpu.memory_space<vmem>>[vector<16xi32>], vector<16xf32>,
        %mul3A_222 = arith.mulf %gather3A_221, %get3A_135 : vector<16xf32>
        %sub3A_223 = arith.subf %mul3A_222, %get3A_139 : vector<16xf32>
        %abs3A_224 = math.absf %sub3A_223 : vector<16xf32>
        %sub3A_225 = arith.subf %abs3A_224, %get3A_143 : vector<16xf32>
        %max3A_226 = arith.constant 0.000000e+00 : f32
        %max3A_227 = vector.broadcast %max3A_226 : f32 to vector<16xf32>
        %max3A_228 = arith.maximumf %sub3A_225, %max3A_227 : vector<16xf32>
        %mul3A_229 = arith.mulf %max3A_228, %max3A_228 : vector<16xf32>
        %add3A_230 = arith.addf %add3A_217, %mul3A_229 : vector<16xf32>
        %add3A_231 = arith.constant 28672 : i32
        %add3A_232 = vector.broadcast %add3A_231 : i32 to vector<16xi32>
        %add3A_233 = arith.addi %get3A_131, %add3A_232 : vector<16xi32>
        %gather3A_234 = tpu.vector_load_idx %arg7[%add3A_233] : memref<65536xf32, #tpu.memory_space<vmem>>[vector<16xi32>], vector<16xf32>,
        %mul3A_235 = arith.mulf %gather3A_234, %get3A_135 : vector<16xf32>
        %sub3A_236 = arith.subf %mul3A_235, %get3A_139 : vector<16xf32>
        %abs3A_237 = math.absf %sub3A_236 : vector<16xf32>
        %sub3A_238 = arith.subf %abs3A_237, %get3A_143 : vector<16xf32>
        %max3A_239 = arith.constant 0.000000e+00 : f32
        %max3A_240 = vector.broadcast %max3A_239 : f32 to vector<16xf32>
        %max3A_241 = arith.maximumf %sub3A_238, %max3A_240 : vector<16xf32>
        %mul3A_242 = arith.mulf %max3A_241, %max3A_241 : vector<16xf32>
        %add3A_243 = arith.addf %add3A_230, %mul3A_242 : vector<16xf32>
        scf.yield %add3A_243 : vector<16xf32>
      }
      %scan3A_74 = arith.constant 64 : i32
      %scan3A_75 = arith.constant 0 : i32
      %scan3A_76 = arith.constant 32 : i32
      %scan3A_77 = arith.addi %scan3A_75, %scan3A_76 : i32
      %scan3A_78 = arith.constant 1 : i32
      %scan3A_79 = scf.for %scan3A_125 = %scan3A_75 to %scan3A_77 step %scan3A_78 iter_args(%scan3A_126 = %scan3A_73) -> (vector<16xf32>)  : i32 {
        %mul3A_127 = arith.constant 16 : i32
        %mul3A_128 = arith.muli %scan3A_125, %mul3A_127 : i32
        %add3A_129 = arith.constant 0 : i32
        %add3A_130 = arith.addi %add3A_129, %mul3A_128 : i32
        %get3A = arith.index_cast %add3A_130 : i32 to index
        %get3A_131 = tpu.vector_load %arg10[%get3A] {strides = array<i32>} : memref<2560xi32, #tpu.memory_space<vmem>>, vector<16xi32>,
        %add3A_132 = arith.constant 0 : i32
        %add3A_133 = arith.addi %add3A_132, %mul3A_128 : i32
        %get3A_134 = arith.index_cast %add3A_133 : i32 to index
        %get3A_135 = tpu.vector_load %arg9[%get3A_134] {strides = array<i32>} : memref<7168xf32, #tpu.memory_space<vmem>>, vector<16xf32>,
        %add3A_136 = arith.constant 512 : i32
        %add3A_137 = arith.addi %add3A_136, %mul3A_128 : i32
        %get3A_138 = arith.index_cast %add3A_137 : i32 to index
        %get3A_139 = tpu.vector_load %arg9[%get3A_138] {strides = array<i32>} : memref<7168xf32, #tpu.memory_space<vmem>>, vector<16xf32>,
        %add3A_140 = arith.constant 1024 : i32
        %add3A_141 = arith.addi %add3A_140, %mul3A_128 : i32
        %get3A_142 = arith.index_cast %add3A_141 : i32 to index
        %get3A_143 = tpu.vector_load %arg9[%get3A_142] {strides = array<i32>} : memref<7168xf32, #tpu.memory_space<vmem>>, vector<16xf32>,
        %add3A_144 = arith.constant 0 : i32
        %add3A_145 = vector.broadcast %add3A_144 : i32 to vector<16xi32>
        %add3A_146 = arith.addi %get3A_131, %add3A_145 : vector<16xi32>
        %gather3A = tpu.vector_load_idx %arg8[%add3A_146] : memref<8192xf32, #tpu.memory_space<vmem>>[vector<16xi32>], vector<16xf32>,
        %mul3A_147 = arith.mulf %gather3A, %get3A_135 : vector<16xf32>
        %sub3A = arith.subf %mul3A_147, %get3A_139 : vector<16xf32>
        %abs3A = math.absf %sub3A : vector<16xf32>
        %sub3A_148 = arith.subf %abs3A, %get3A_143 : vector<16xf32>
        %max3A = arith.constant 0.000000e+00 : f32
        %max3A_149 = vector.broadcast %max3A : f32 to vector<16xf32>
        %max3A_150 = arith.maximumf %sub3A_148, %max3A_149 : vector<16xf32>
        %mul3A_151 = arith.mulf %max3A_150, %max3A_150 : vector<16xf32>
        %add3A_152 = arith.addf %scan3A_126, %mul3A_151 : vector<16xf32>
        %add3A_153 = arith.constant 512 : i32
        %add3A_154 = vector.broadcast %add3A_153 : i32 to vector<16xi32>
        %add3A_155 = arith.addi %get3A_131, %add3A_154 : vector<16xi32>
        %gather3A_156 = tpu.vector_load_idx %arg8[%add3A_155] : memref<8192xf32, #tpu.memory_space<vmem>>[vector<16xi32>], vector<16xf32>,
        %mul3A_157 = arith.mulf %gather3A_156, %get3A_135 : vector<16xf32>
        %sub3A_158 = arith.subf %mul3A_157, %get3A_139 : vector<16xf32>
        %abs3A_159 = math.absf %sub3A_158 : vector<16xf32>
        %sub3A_160 = arith.subf %abs3A_159, %get3A_143 : vector<16xf32>
        %max3A_161 = arith.constant 0.000000e+00 : f32
        %max3A_162 = vector.broadcast %max3A_161 : f32 to vector<16xf32>
        %max3A_163 = arith.maximumf %sub3A_160, %max3A_162 : vector<16xf32>
        %mul3A_164 = arith.mulf %max3A_163, %max3A_163 : vector<16xf32>
        %add3A_165 = arith.addf %add3A_152, %mul3A_164 : vector<16xf32>
        %add3A_166 = arith.constant 1024 : i32
        %add3A_167 = vector.broadcast %add3A_166 : i32 to vector<16xi32>
        %add3A_168 = arith.addi %get3A_131, %add3A_167 : vector<16xi32>
        %gather3A_169 = tpu.vector_load_idx %arg8[%add3A_168] : memref<8192xf32, #tpu.memory_space<vmem>>[vector<16xi32>], vector<16xf32>,
        %mul3A_170 = arith.mulf %gather3A_169, %get3A_135 : vector<16xf32>
        %sub3A_171 = arith.subf %mul3A_170, %get3A_139 : vector<16xf32>
        %abs3A_172 = math.absf %sub3A_171 : vector<16xf32>
        %sub3A_173 = arith.subf %abs3A_172, %get3A_143 : vector<16xf32>
        %max3A_174 = arith.constant 0.000000e+00 : f32
        %max3A_175 = vector.broadcast %max3A_174 : f32 to vector<16xf32>
        %max3A_176 = arith.maximumf %sub3A_173, %max3A_175 : vector<16xf32>
        %mul3A_177 = arith.mulf %max3A_176, %max3A_176 : vector<16xf32>
        %add3A_178 = arith.addf %add3A_165, %mul3A_177 : vector<16xf32>
        %add3A_179 = arith.constant 1536 : i32
        %add3A_180 = vector.broadcast %add3A_179 : i32 to vector<16xi32>
        %add3A_181 = arith.addi %get3A_131, %add3A_180 : vector<16xi32>
        %gather3A_182 = tpu.vector_load_idx %arg8[%add3A_181] : memref<8192xf32, #tpu.memory_space<vmem>>[vector<16xi32>], vector<16xf32>,
        %mul3A_183 = arith.mulf %gather3A_182, %get3A_135 : vector<16xf32>
        %sub3A_184 = arith.subf %mul3A_183, %get3A_139 : vector<16xf32>
        %abs3A_185 = math.absf %sub3A_184 : vector<16xf32>
        %sub3A_186 = arith.subf %abs3A_185, %get3A_143 : vector<16xf32>
        %max3A_187 = arith.constant 0.000000e+00 : f32
        %max3A_188 = vector.broadcast %max3A_187 : f32 to vector<16xf32>
        %max3A_189 = arith.maximumf %sub3A_186, %max3A_188 : vector<16xf32>
        %mul3A_190 = arith.mulf %max3A_189, %max3A_189 : vector<16xf32>
        %add3A_191 = arith.addf %add3A_178, %mul3A_190 : vector<16xf32>
        %add3A_192 = arith.constant 2048 : i32
        %add3A_193 = vector.broadcast %add3A_192 : i32 to vector<16xi32>
        %add3A_194 = arith.addi %get3A_131, %add3A_193 : vector<16xi32>
        %gather3A_195 = tpu.vector_load_idx %arg8[%add3A_194] : memref<8192xf32, #tpu.memory_space<vmem>>[vector<16xi32>], vector<16xf32>,
        %mul3A_196 = arith.mulf %gather3A_195, %get3A_135 : vector<16xf32>
        %sub3A_197 = arith.subf %mul3A_196, %get3A_139 : vector<16xf32>
        %abs3A_198 = math.absf %sub3A_197 : vector<16xf32>
        %sub3A_199 = arith.subf %abs3A_198, %get3A_143 : vector<16xf32>
        %max3A_200 = arith.constant 0.000000e+00 : f32
        %max3A_201 = vector.broadcast %max3A_200 : f32 to vector<16xf32>
        %max3A_202 = arith.maximumf %sub3A_199, %max3A_201 : vector<16xf32>
        %mul3A_203 = arith.mulf %max3A_202, %max3A_202 : vector<16xf32>
        %add3A_204 = arith.addf %add3A_191, %mul3A_203 : vector<16xf32>
        %add3A_205 = arith.constant 2560 : i32
        %add3A_206 = vector.broadcast %add3A_205 : i32 to vector<16xi32>
        %add3A_207 = arith.addi %get3A_131, %add3A_206 : vector<16xi32>
        %gather3A_208 = tpu.vector_load_idx %arg8[%add3A_207] : memref<8192xf32, #tpu.memory_space<vmem>>[vector<16xi32>], vector<16xf32>,
        %mul3A_209 = arith.mulf %gather3A_208, %get3A_135 : vector<16xf32>
        %sub3A_210 = arith.subf %mul3A_209, %get3A_139 : vector<16xf32>
        %abs3A_211 = math.absf %sub3A_210 : vector<16xf32>
        %sub3A_212 = arith.subf %abs3A_211, %get3A_143 : vector<16xf32>
        %max3A_213 = arith.constant 0.000000e+00 : f32
        %max3A_214 = vector.broadcast %max3A_213 : f32 to vector<16xf32>
        %max3A_215 = arith.maximumf %sub3A_212, %max3A_214 : vector<16xf32>
        %mul3A_216 = arith.mulf %max3A_215, %max3A_215 : vector<16xf32>
        %add3A_217 = arith.addf %add3A_204, %mul3A_216 : vector<16xf32>
        %add3A_218 = arith.constant 3072 : i32
        %add3A_219 = vector.broadcast %add3A_218 : i32 to vector<16xi32>
        %add3A_220 = arith.addi %get3A_131, %add3A_219 : vector<16xi32>
        %gather3A_221 = tpu.vector_load_idx %arg8[%add3A_220] : memref<8192xf32, #tpu.memory_space<vmem>>[vector<16xi32>], vector<16xf32>,
        %mul3A_222 = arith.mulf %gather3A_221, %get3A_135 : vector<16xf32>
        %sub3A_223 = arith.subf %mul3A_222, %get3A_139 : vector<16xf32>
        %abs3A_224 = math.absf %sub3A_223 : vector<16xf32>
        %sub3A_225 = arith.subf %abs3A_224, %get3A_143 : vector<16xf32>
        %max3A_226 = arith.constant 0.000000e+00 : f32
        %max3A_227 = vector.broadcast %max3A_226 : f32 to vector<16xf32>
        %max3A_228 = arith.maximumf %sub3A_225, %max3A_227 : vector<16xf32>
        %mul3A_229 = arith.mulf %max3A_228, %max3A_228 : vector<16xf32>
        %add3A_230 = arith.addf %add3A_217, %mul3A_229 : vector<16xf32>
        %add3A_231 = arith.constant 3584 : i32
        %add3A_232 = vector.broadcast %add3A_231 : i32 to vector<16xi32>
        %add3A_233 = arith.addi %get3A_131, %add3A_232 : vector<16xi32>
        %gather3A_234 = tpu.vector_load_idx %arg8[%add3A_233] : memref<8192xf32, #tpu.memory_space<vmem>>[vector<16xi32>], vector<16xf32>,
        %mul3A_235 = arith.mulf %gather3A_234, %get3A_135 : vector<16xf32>
        %sub3A_236 = arith.subf %mul3A_235, %get3A_139 : vector<16xf32>
        %abs3A_237 = math.absf %sub3A_236 : vector<16xf32>
        %sub3A_238 = arith.subf %abs3A_237, %get3A_143 : vector<16xf32>
        %max3A_239 = arith.constant 0.000000e+00 : f32
        %max3A_240 = vector.broadcast %max3A_239 : f32 to vector<16xf32>
        %max3A_241 = arith.maximumf %sub3A_238, %max3A_240 : vector<16xf32>
        %mul3A_242 = arith.mulf %max3A_241, %max3A_241 : vector<16xf32>
        %add3A_243 = arith.addf %add3A_230, %mul3A_242 : vector<16xf32>
        scf.yield %add3A_243 : vector<16xf32>
      }
      %scan3A_80 = arith.constant 32 : i32
      %scan3A_81 = arith.constant 0 : i32
      %scan3A_82 = arith.constant 32 : i32
      %scan3A_83 = arith.addi %scan3A_81, %scan3A_82 : i32
      %scan3A_84 = arith.constant 1 : i32
      %scan3A_85 = scf.for %scan3A_125 = %scan3A_81 to %scan3A_83 step %scan3A_84 iter_args(%scan3A_126 = %scan3A_79) -> (vector<16xf32>)  : i32 {
        %mul3A_127 = arith.constant 16 : i32
        %mul3A_128 = arith.muli %scan3A_125, %mul3A_127 : i32
        %add3A_129 = arith.constant 1536 : i32
        %add3A_130 = arith.addi %add3A_129, %mul3A_128 : i32
        %get3A = arith.index_cast %add3A_130 : i32 to index
        %get3A_131 = tpu.vector_load %arg10[%get3A] {strides = array<i32>} : memref<2560xi32, #tpu.memory_space<vmem>>, vector<16xi32>,
        %add3A_132 = arith.constant 2048 : i32
        %add3A_133 = arith.addi %add3A_132, %mul3A_128 : i32
        %get3A_134 = arith.index_cast %add3A_133 : i32 to index
        %get3A_135 = tpu.vector_load %arg10[%get3A_134] {strides = array<i32>} : memref<2560xi32, #tpu.memory_space<vmem>>, vector<16xi32>,
        %add3A_136 = arith.constant 4608 : i32
        %add3A_137 = arith.addi %add3A_136, %mul3A_128 : i32
        %get3A_138 = arith.index_cast %add3A_137 : i32 to index
        %get3A_139 = tpu.vector_load %arg9[%get3A_138] {strides = array<i32>} : memref<7168xf32, #tpu.memory_space<vmem>>, vector<16xf32>,
        %add3A_140 = arith.constant 5120 : i32
        %add3A_141 = arith.addi %add3A_140, %mul3A_128 : i32
        %get3A_142 = arith.index_cast %add3A_141 : i32 to index
        %get3A_143 = tpu.vector_load %arg9[%get3A_142] {strides = array<i32>} : memref<7168xf32, #tpu.memory_space<vmem>>, vector<16xf32>,
        %add3A_144 = arith.constant 5632 : i32
        %add3A_145 = arith.addi %add3A_144, %mul3A_128 : i32
        %get3A_146 = arith.index_cast %add3A_145 : i32 to index
        %get3A_147 = tpu.vector_load %arg9[%get3A_146] {strides = array<i32>} : memref<7168xf32, #tpu.memory_space<vmem>>, vector<16xf32>,
        %add3A_148 = arith.constant 6144 : i32
        %add3A_149 = arith.addi %add3A_148, %mul3A_128 : i32
        %get3A_150 = arith.index_cast %add3A_149 : i32 to index
        %get3A_151 = tpu.vector_load %arg9[%get3A_150] {strides = array<i32>} : memref<7168xf32, #tpu.memory_space<vmem>>, vector<16xf32>,
        %add3A_152 = arith.constant 6656 : i32
        %add3A_153 = arith.addi %add3A_152, %mul3A_128 : i32
        %get3A_154 = arith.index_cast %add3A_153 : i32 to index
        %get3A_155 = tpu.vector_load %arg9[%get3A_154] {strides = array<i32>} : memref<7168xf32, #tpu.memory_space<vmem>>, vector<16xf32>,
        %add3A_156 = arith.constant 0 : i32
        %add3A_157 = vector.broadcast %add3A_156 : i32 to vector<16xi32>
        %add3A_158 = arith.addi %get3A_131, %add3A_157 : vector<16xi32>
        %gather3A = tpu.vector_load_idx %arg8[%add3A_158] : memref<8192xf32, #tpu.memory_space<vmem>>[vector<16xi32>], vector<16xf32>,
        %add3A_159 = arith.constant 0 : i32
        %add3A_160 = vector.broadcast %add3A_159 : i32 to vector<16xi32>
        %add3A_161 = arith.addi %get3A_135, %add3A_160 : vector<16xi32>
        %gather3A_162 = tpu.vector_load_idx %arg8[%add3A_161] : memref<8192xf32, #tpu.memory_space<vmem>>[vector<16xi32>], vector<16xf32>,
        %mul3A_163 = arith.mulf %gather3A, %get3A_139 : vector<16xf32>
        %sub3A = arith.subf %mul3A_163, %get3A_143 : vector<16xf32>
        %mul3A_164 = arith.mulf %gather3A_162, %get3A_147 : vector<16xf32>
        %sub3A_165 = arith.subf %sub3A, %mul3A_164 : vector<16xf32>
        %ge3A = arith.cmpf oge, %gather3A, %get3A_151 : vector<16xf32>
        %le3A = arith.cmpf ole, %gather3A, %get3A_155 : vector<16xf32>
        %and3A = arith.andi %ge3A, %le3A : vector<16xi1>
        %jit3A = arith.constant 0.000000e+00 : f32
        %broadcast_in_dim3A_166 = vector.broadcast %jit3A : f32 to vector<16xf32>
        %select_n3A = arith.select %and3A, %sub3A_165, %broadcast_in_dim3A_166 : vector<16xi1>, vector<16xf32>
        %mul3A_167 = arith.mulf %select_n3A, %select_n3A : vector<16xf32>
        %add3A_168 = arith.addf %scan3A_126, %mul3A_167 : vector<16xf32>
        %add3A_169 = arith.constant 512 : i32
        %add3A_170 = vector.broadcast %add3A_169 : i32 to vector<16xi32>
        %add3A_171 = arith.addi %get3A_131, %add3A_170 : vector<16xi32>
        %gather3A_172 = tpu.vector_load_idx %arg8[%add3A_171] : memref<8192xf32, #tpu.memory_space<vmem>>[vector<16xi32>], vector<16xf32>,
        %add3A_173 = arith.constant 512 : i32
        %add3A_174 = vector.broadcast %add3A_173 : i32 to vector<16xi32>
        %add3A_175 = arith.addi %get3A_135, %add3A_174 : vector<16xi32>
        %gather3A_176 = tpu.vector_load_idx %arg8[%add3A_175] : memref<8192xf32, #tpu.memory_space<vmem>>[vector<16xi32>], vector<16xf32>,
        %mul3A_177 = arith.mulf %gather3A_172, %get3A_139 : vector<16xf32>
        %sub3A_178 = arith.subf %mul3A_177, %get3A_143 : vector<16xf32>
        %mul3A_179 = arith.mulf %gather3A_176, %get3A_147 : vector<16xf32>
        %sub3A_180 = arith.subf %sub3A_178, %mul3A_179 : vector<16xf32>
        %ge3A_181 = arith.cmpf oge, %gather3A_172, %get3A_151 : vector<16xf32>
        %le3A_182 = arith.cmpf ole, %gather3A_172, %get3A_155 : vector<16xf32>
        %and3A_183 = arith.andi %ge3A_181, %le3A_182 : vector<16xi1>
        %jit3A_184 = arith.constant 0.000000e+00 : f32
        %broadcast_in_dim3A_185 = vector.broadcast %jit3A_184 : f32 to vector<16xf32>
        %select_n3A_186 = arith.select %and3A_183, %sub3A_180, %broadcast_in_dim3A_185 : vector<16xi1>, vector<16xf32>
        %mul3A_187 = arith.mulf %select_n3A_186, %select_n3A_186 : vector<16xf32>
        %add3A_188 = arith.addf %add3A_168, %mul3A_187 : vector<16xf32>
        %add3A_189 = arith.constant 1024 : i32
        %add3A_190 = vector.broadcast %add3A_189 : i32 to vector<16xi32>
        %add3A_191 = arith.addi %get3A_131, %add3A_190 : vector<16xi32>
        %gather3A_192 = tpu.vector_load_idx %arg8[%add3A_191] : memref<8192xf32, #tpu.memory_space<vmem>>[vector<16xi32>], vector<16xf32>,
        %add3A_193 = arith.constant 1024 : i32
        %add3A_194 = vector.broadcast %add3A_193 : i32 to vector<16xi32>
        %add3A_195 = arith.addi %get3A_135, %add3A_194 : vector<16xi32>
        %gather3A_196 = tpu.vector_load_idx %arg8[%add3A_195] : memref<8192xf32, #tpu.memory_space<vmem>>[vector<16xi32>], vector<16xf32>,
        %mul3A_197 = arith.mulf %gather3A_192, %get3A_139 : vector<16xf32>
        %sub3A_198 = arith.subf %mul3A_197, %get3A_143 : vector<16xf32>
        %mul3A_199 = arith.mulf %gather3A_196, %get3A_147 : vector<16xf32>
        %sub3A_200 = arith.subf %sub3A_198, %mul3A_199 : vector<16xf32>
        %ge3A_201 = arith.cmpf oge, %gather3A_192, %get3A_151 : vector<16xf32>
        %le3A_202 = arith.cmpf ole, %gather3A_192, %get3A_155 : vector<16xf32>
        %and3A_203 = arith.andi %ge3A_201, %le3A_202 : vector<16xi1>
        %jit3A_204 = arith.constant 0.000000e+00 : f32
        %broadcast_in_dim3A_205 = vector.broadcast %jit3A_204 : f32 to vector<16xf32>
        %select_n3A_206 = arith.select %and3A_203, %sub3A_200, %broadcast_in_dim3A_205 : vector<16xi1>, vector<16xf32>
        %mul3A_207 = arith.mulf %select_n3A_206, %select_n3A_206 : vector<16xf32>
        %add3A_208 = arith.addf %add3A_188, %mul3A_207 : vector<16xf32>
        %add3A_209 = arith.constant 1536 : i32
        %add3A_210 = vector.broadcast %add3A_209 : i32 to vector<16xi32>
        %add3A_211 = arith.addi %get3A_131, %add3A_210 : vector<16xi32>
        %gather3A_212 = tpu.vector_load_idx %arg8[%add3A_211] : memref<8192xf32, #tpu.memory_space<vmem>>[vector<16xi32>], vector<16xf32>,
        %add3A_213 = arith.constant 1536 : i32
        %add3A_214 = vector.broadcast %add3A_213 : i32 to vector<16xi32>
        %add3A_215 = arith.addi %get3A_135, %add3A_214 : vector<16xi32>
        %gather3A_216 = tpu.vector_load_idx %arg8[%add3A_215] : memref<8192xf32, #tpu.memory_space<vmem>>[vector<16xi32>], vector<16xf32>,
        %mul3A_217 = arith.mulf %gather3A_212, %get3A_139 : vector<16xf32>
        %sub3A_218 = arith.subf %mul3A_217, %get3A_143 : vector<16xf32>
        %mul3A_219 = arith.mulf %gather3A_216, %get3A_147 : vector<16xf32>
        %sub3A_220 = arith.subf %sub3A_218, %mul3A_219 : vector<16xf32>
        %ge3A_221 = arith.cmpf oge, %gather3A_212, %get3A_151 : vector<16xf32>
        %le3A_222 = arith.cmpf ole, %gather3A_212, %get3A_155 : vector<16xf32>
        %and3A_223 = arith.andi %ge3A_221, %le3A_222 : vector<16xi1>
        %jit3A_224 = arith.constant 0.000000e+00 : f32
        %broadcast_in_dim3A_225 = vector.broadcast %jit3A_224 : f32 to vector<16xf32>
        %select_n3A_226 = arith.select %and3A_223, %sub3A_220, %broadcast_in_dim3A_225 : vector<16xi1>, vector<16xf32>
        %mul3A_227 = arith.mulf %select_n3A_226, %select_n3A_226 : vector<16xf32>
        %add3A_228 = arith.addf %add3A_208, %mul3A_227 : vector<16xf32>
        %add3A_229 = arith.constant 2048 : i32
        %add3A_230 = vector.broadcast %add3A_229 : i32 to vector<16xi32>
        %add3A_231 = arith.addi %get3A_131, %add3A_230 : vector<16xi32>
        %gather3A_232 = tpu.vector_load_idx %arg8[%add3A_231] : memref<8192xf32, #tpu.memory_space<vmem>>[vector<16xi32>], vector<16xf32>,
        %add3A_233 = arith.constant 2048 : i32
        %add3A_234 = vector.broadcast %add3A_233 : i32 to vector<16xi32>
        %add3A_235 = arith.addi %get3A_135, %add3A_234 : vector<16xi32>
        %gather3A_236 = tpu.vector_load_idx %arg8[%add3A_235] : memref<8192xf32, #tpu.memory_space<vmem>>[vector<16xi32>], vector<16xf32>,
        %mul3A_237 = arith.mulf %gather3A_232, %get3A_139 : vector<16xf32>
        %sub3A_238 = arith.subf %mul3A_237, %get3A_143 : vector<16xf32>
        %mul3A_239 = arith.mulf %gather3A_236, %get3A_147 : vector<16xf32>
        %sub3A_240 = arith.subf %sub3A_238, %mul3A_239 : vector<16xf32>
        %ge3A_241 = arith.cmpf oge, %gather3A_232, %get3A_151 : vector<16xf32>
        %le3A_242 = arith.cmpf ole, %gather3A_232, %get3A_155 : vector<16xf32>
        %and3A_243 = arith.andi %ge3A_241, %le3A_242 : vector<16xi1>
        %jit3A_244 = arith.constant 0.000000e+00 : f32
        %broadcast_in_dim3A_245 = vector.broadcast %jit3A_244 : f32 to vector<16xf32>
        %select_n3A_246 = arith.select %and3A_243, %sub3A_240, %broadcast_in_dim3A_245 : vector<16xi1>, vector<16xf32>
        %mul3A_247 = arith.mulf %select_n3A_246, %select_n3A_246 : vector<16xf32>
        %add3A_248 = arith.addf %add3A_228, %mul3A_247 : vector<16xf32>
        %add3A_249 = arith.constant 2560 : i32
        %add3A_250 = vector.broadcast %add3A_249 : i32 to vector<16xi32>
        %add3A_251 = arith.addi %get3A_131, %add3A_250 : vector<16xi32>
        %gather3A_252 = tpu.vector_load_idx %arg8[%add3A_251] : memref<8192xf32, #tpu.memory_space<vmem>>[vector<16xi32>], vector<16xf32>,
        %add3A_253 = arith.constant 2560 : i32
        %add3A_254 = vector.broadcast %add3A_253 : i32 to vector<16xi32>
        %add3A_255 = arith.addi %get3A_135, %add3A_254 : vector<16xi32>
        %gather3A_256 = tpu.vector_load_idx %arg8[%add3A_255] : memref<8192xf32, #tpu.memory_space<vmem>>[vector<16xi32>], vector<16xf32>,
        %mul3A_257 = arith.mulf %gather3A_252, %get3A_139 : vector<16xf32>
        %sub3A_258 = arith.subf %mul3A_257, %get3A_143 : vector<16xf32>
        %mul3A_259 = arith.mulf %gather3A_256, %get3A_147 : vector<16xf32>
        %sub3A_260 = arith.subf %sub3A_258, %mul3A_259 : vector<16xf32>
        %ge3A_261 = arith.cmpf oge, %gather3A_252, %get3A_151 : vector<16xf32>
        %le3A_262 = arith.cmpf ole, %gather3A_252, %get3A_155 : vector<16xf32>
        %and3A_263 = arith.andi %ge3A_261, %le3A_262 : vector<16xi1>
        %jit3A_264 = arith.constant 0.000000e+00 : f32
        %broadcast_in_dim3A_265 = vector.broadcast %jit3A_264 : f32 to vector<16xf32>
        %select_n3A_266 = arith.select %and3A_263, %sub3A_260, %broadcast_in_dim3A_265 : vector<16xi1>, vector<16xf32>
        %mul3A_267 = arith.mulf %select_n3A_266, %select_n3A_266 : vector<16xf32>
        %add3A_268 = arith.addf %add3A_248, %mul3A_267 : vector<16xf32>
        %add3A_269 = arith.constant 3072 : i32
        %add3A_270 = vector.broadcast %add3A_269 : i32 to vector<16xi32>
        %add3A_271 = arith.addi %get3A_131, %add3A_270 : vector<16xi32>
        %gather3A_272 = tpu.vector_load_idx %arg8[%add3A_271] : memref<8192xf32, #tpu.memory_space<vmem>>[vector<16xi32>], vector<16xf32>,
        %add3A_273 = arith.constant 3072 : i32
        %add3A_274 = vector.broadcast %add3A_273 : i32 to vector<16xi32>
        %add3A_275 = arith.addi %get3A_135, %add3A_274 : vector<16xi32>
        %gather3A_276 = tpu.vector_load_idx %arg8[%add3A_275] : memref<8192xf32, #tpu.memory_space<vmem>>[vector<16xi32>], vector<16xf32>,
        %mul3A_277 = arith.mulf %gather3A_272, %get3A_139 : vector<16xf32>
        %sub3A_278 = arith.subf %mul3A_277, %get3A_143 : vector<16xf32>
        %mul3A_279 = arith.mulf %gather3A_276, %get3A_147 : vector<16xf32>
        %sub3A_280 = arith.subf %sub3A_278, %mul3A_279 : vector<16xf32>
        %ge3A_281 = arith.cmpf oge, %gather3A_272, %get3A_151 : vector<16xf32>
        %le3A_282 = arith.cmpf ole, %gather3A_272, %get3A_155 : vector<16xf32>
        %and3A_283 = arith.andi %ge3A_281, %le3A_282 : vector<16xi1>
        %jit3A_284 = arith.constant 0.000000e+00 : f32
        %broadcast_in_dim3A_285 = vector.broadcast %jit3A_284 : f32 to vector<16xf32>
        %select_n3A_286 = arith.select %and3A_283, %sub3A_280, %broadcast_in_dim3A_285 : vector<16xi1>, vector<16xf32>
        %mul3A_287 = arith.mulf %select_n3A_286, %select_n3A_286 : vector<16xf32>
        %add3A_288 = arith.addf %add3A_268, %mul3A_287 : vector<16xf32>
        %add3A_289 = arith.constant 3584 : i32
        %add3A_290 = vector.broadcast %add3A_289 : i32 to vector<16xi32>
        %add3A_291 = arith.addi %get3A_131, %add3A_290 : vector<16xi32>
        %gather3A_292 = tpu.vector_load_idx %arg8[%add3A_291] : memref<8192xf32, #tpu.memory_space<vmem>>[vector<16xi32>], vector<16xf32>,
        %add3A_293 = arith.constant 3584 : i32
        %add3A_294 = vector.broadcast %add3A_293 : i32 to vector<16xi32>
        %add3A_295 = arith.addi %get3A_135, %add3A_294 : vector<16xi32>
        %gather3A_296 = tpu.vector_load_idx %arg8[%add3A_295] : memref<8192xf32, #tpu.memory_space<vmem>>[vector<16xi32>], vector<16xf32>,
        %mul3A_297 = arith.mulf %gather3A_292, %get3A_139 : vector<16xf32>
        %sub3A_298 = arith.subf %mul3A_297, %get3A_143 : vector<16xf32>
        %mul3A_299 = arith.mulf %gather3A_296, %get3A_147 : vector<16xf32>
        %sub3A_300 = arith.subf %sub3A_298, %mul3A_299 : vector<16xf32>
        %ge3A_301 = arith.cmpf oge, %gather3A_292, %get3A_151 : vector<16xf32>
        %le3A_302 = arith.cmpf ole, %gather3A_292, %get3A_155 : vector<16xf32>
        %and3A_303 = arith.andi %ge3A_301, %le3A_302 : vector<16xi1>
        %jit3A_304 = arith.constant 0.000000e+00 : f32
        %broadcast_in_dim3A_305 = vector.broadcast %jit3A_304 : f32 to vector<16xf32>
        %select_n3A_306 = arith.select %and3A_303, %sub3A_300, %broadcast_in_dim3A_305 : vector<16xi1>, vector<16xf32>
        %mul3A_307 = arith.mulf %select_n3A_306, %select_n3A_306 : vector<16xf32>
        %add3A_308 = arith.addf %add3A_288, %mul3A_307 : vector<16xf32>
        scf.yield %add3A_308 : vector<16xf32>
      }
      %scan3A_86 = arith.constant 32 : i32
      %add3A_87 = arith.constant 2 : i32
      %add3A_88 = arith.addi %mul3A_32, %add3A_87 : i32
      %lt3A = arith.constant 64 : i32
      %lt3A_89 = arith.cmpi slt, %add3A_88, %lt3A : i32
      %convert_element_type3A = arith.extui %lt3A_89 : i1 to i32
      %cond3A = arith.constant 0 : i32
      %cond3A_90 = arith.cmpi ne, %convert_element_type3A, %cond3A : i32
      scf.if %cond3A_90 {
        %add3A_125 = arith.constant 2 : i32
        %add3A_126 = arith.addi %mul3A_32, %add3A_125 : i32
        %mul3A_127 = arith.constant 8 : i32
        %mul3A_128 = arith.muli %add3A_126, %mul3A_127 : i32
        %add3A_129 = arith.addi %mul3A_2, %mul3A_128 : i32
        %mul3A_130 = arith.constant 4096 : i32
        %mul3A_131 = arith.muli %add3A_129, %mul3A_130 : i32
        %dma_start3A_132 = arith.constant 0 : i32
        %dma_start3A_133 = tpu.memref_slice %arg7[%dma_start3A_132] : memref<65536xf32, #tpu.memory_space<vmem>> -> memref<32768xf32, #tpu.memory_space<vmem>>
        %dma_start3A_134 = tpu.memref_slice %arg2[%mul3A_131] : memref<67108864xf32, #tpu.memory_space<hbm>> -> memref<32768xf32, #tpu.memory_space<hbm>>
        %dma_start3A_135 = arith.constant 0 : i32
        %dma_start3A_136 = tpu.memref_slice %arg7[%dma_start3A_135] : memref<65536xf32, #tpu.memory_space<vmem>> -> memref<32768xf32, #tpu.memory_space<vmem>>
        %dma_start3A_137 = tpu.memref_slice %arg2[%mul3A_131] : memref<67108864xf32, #tpu.memory_space<hbm>> -> memref<32768xf32, #tpu.memory_space<hbm>>
        tpu.enqueue_dma source(%dma_start3A_137 : memref<32768xf32, #tpu.memory_space<hbm>>) target(%dma_start3A_136 : memref<32768xf32, #tpu.memory_space<vmem>>) target_semaphore(%arg12 : memref<!tpu.dma_semaphore, #tpu.memory_space<semaphore_mem>>)
        %mul3A_138 = arith.constant 512 : i32
        %mul3A_139 = arith.muli %add3A_129, %mul3A_138 : i32
        %dma_start3A_140 = arith.constant 0 : i32
        %dma_start3A_141 = tpu.memref_slice %arg8[%dma_start3A_140] : memref<8192xf32, #tpu.memory_space<vmem>> -> memref<4096xf32, #tpu.memory_space<vmem>>
        %dma_start3A_142 = tpu.memref_slice %arg3[%mul3A_139] : memref<8388608xf32, #tpu.memory_space<hbm>> -> memref<4096xf32, #tpu.memory_space<hbm>>
        %dma_start3A_143 = arith.constant 0 : i32
        %dma_start3A_144 = tpu.memref_slice %arg8[%dma_start3A_143] : memref<8192xf32, #tpu.memory_space<vmem>> -> memref<4096xf32, #tpu.memory_space<vmem>>
        %dma_start3A_145 = tpu.memref_slice %arg3[%mul3A_139] : memref<8388608xf32, #tpu.memory_space<hbm>> -> memref<4096xf32, #tpu.memory_space<hbm>>
        tpu.enqueue_dma source(%dma_start3A_145 : memref<4096xf32, #tpu.memory_space<hbm>>) target(%dma_start3A_144 : memref<4096xf32, #tpu.memory_space<vmem>>) target_semaphore(%arg14 : memref<!tpu.dma_semaphore, #tpu.memory_space<semaphore_mem>>)
      } else {
      }
      %dma_wait3A_91 = arith.constant 32768 : i32
      %dma_wait3A_92 = tpu.memref_slice %arg7[%dma_wait3A_91] : memref<65536xf32, #tpu.memory_space<vmem>> -> memref<32768xf32, #tpu.memory_space<vmem>>
      %dma_wait3A_93 = arith.constant 0 : i32
      %dma_wait3A_94 = tpu.memref_slice %arg2[%dma_wait3A_93] : memref<67108864xf32, #tpu.memory_space<hbm>> -> memref<32768xf32, #tpu.memory_space<hbm>>
      %dma_wait3A_95 = arith.constant 32768 : i32
      %dma_wait3A_96 = tpu.memref_slice %arg7[%dma_wait3A_95] : memref<65536xf32, #tpu.memory_space<vmem>> -> memref<32768xf32, #tpu.memory_space<vmem>>
      %dma_wait3A_97 = arith.constant 0 : i32
      %dma_wait3A_98 = tpu.memref_slice %arg2[%dma_wait3A_97] : memref<67108864xf32, #tpu.memory_space<hbm>> -> memref<32768xf32, #tpu.memory_space<hbm>>
      tpu.wait_dma2 semaphore(%arg13 : memref<!tpu.dma_semaphore, #tpu.memory_space<semaphore_mem>>) src(%dma_wait3A_98 : memref<32768xf32, #tpu.memory_space<hbm>>) dst(%dma_wait3A_96 : memref<32768xf32, #tpu.memory_space<vmem>>)
      %dma_wait3A_99 = arith.constant 4096 : i32
      %dma_wait3A_100 = tpu.memref_slice %arg8[%dma_wait3A_99] : memref<8192xf32, #tpu.memory_space<vmem>> -> memref<4096xf32, #tpu.memory_space<vmem>>
      %dma_wait3A_101 = arith.constant 0 : i32
      %dma_wait3A_102 = tpu.memref_slice %arg3[%dma_wait3A_101] : memref<8388608xf32, #tpu.memory_space<hbm>> -> memref<4096xf32, #tpu.memory_space<hbm>>
      %dma_wait3A_103 = arith.constant 4096 : i32
      %dma_wait3A_104 = tpu.memref_slice %arg8[%dma_wait3A_103] : memref<8192xf32, #tpu.memory_space<vmem>> -> memref<4096xf32, #tpu.memory_space<vmem>>
      %dma_wait3A_105 = arith.constant 0 : i32
      %dma_wait3A_106 = tpu.memref_slice %arg3[%dma_wait3A_105] : memref<8388608xf32, #tpu.memory_space<hbm>> -> memref<4096xf32, #tpu.memory_space<hbm>>
      tpu.wait_dma2 semaphore(%arg15 : memref<!tpu.dma_semaphore, #tpu.memory_space<semaphore_mem>>) src(%dma_wait3A_106 : memref<4096xf32, #tpu.memory_space<hbm>>) dst(%dma_wait3A_104 : memref<4096xf32, #tpu.memory_space<vmem>>)
      %scan3A_107 = arith.constant 0 : i32
      %scan3A_108 = arith.constant 64 : i32
      %scan3A_109 = arith.addi %scan3A_107, %scan3A_108 : i32
      %scan3A_110 = arith.constant 1 : i32
      %scan3A_111 = scf.for %scan3A_125 = %scan3A_107 to %scan3A_109 step %scan3A_110 iter_args(%scan3A_126 = %scan3A_85) -> (vector<16xf32>)  : i32 {
        %mul3A_127 = arith.constant 16 : i32
        %mul3A_128 = arith.muli %scan3A_125, %mul3A_127 : i32
        %add3A_129 = arith.constant 512 : i32
        %add3A_130 = arith.addi %add3A_129, %mul3A_128 : i32
        %get3A = arith.index_cast %add3A_130 : i32 to index
        %get3A_131 = tpu.vector_load %arg10[%get3A] {strides = array<i32>} : memref<2560xi32, #tpu.memory_space<vmem>>, vector<16xi32>,
        %add3A_132 = arith.constant 1536 : i32
        %add3A_133 = arith.addi %add3A_132, %mul3A_128 : i32
        %get3A_134 = arith.index_cast %add3A_133 : i32 to index
        %get3A_135 = tpu.vector_load %arg9[%get3A_134] {strides = array<i32>} : memref<7168xf32, #tpu.memory_space<vmem>>, vector<16xf32>,
        %add3A_136 = arith.constant 2560 : i32
        %add3A_137 = arith.addi %add3A_136, %mul3A_128 : i32
        %get3A_138 = arith.index_cast %add3A_137 : i32 to index
        %get3A_139 = tpu.vector_load %arg9[%get3A_138] {strides = array<i32>} : memref<7168xf32, #tpu.memory_space<vmem>>, vector<16xf32>,
        %add3A_140 = arith.constant 3584 : i32
        %add3A_141 = arith.addi %add3A_140, %mul3A_128 : i32
        %get3A_142 = arith.index_cast %add3A_141 : i32 to index
        %get3A_143 = tpu.vector_load %arg9[%get3A_142] {strides = array<i32>} : memref<7168xf32, #tpu.memory_space<vmem>>, vector<16xf32>,
        %add3A_144 = arith.constant 32768 : i32
        %add3A_145 = vector.broadcast %add3A_144 : i32 to vector<16xi32>
        %add3A_146 = arith.addi %get3A_131, %add3A_145 : vector<16xi32>
        %gather3A = tpu.vector_load_idx %arg7[%add3A_146] : memref<65536xf32, #tpu.memory_space<vmem>>[vector<16xi32>], vector<16xf32>,
        %mul3A_147 = arith.mulf %gather3A, %get3A_135 : vector<16xf32>
        %sub3A = arith.subf %mul3A_147, %get3A_139 : vector<16xf32>
        %abs3A = math.absf %sub3A : vector<16xf32>
        %sub3A_148 = arith.subf %abs3A, %get3A_143 : vector<16xf32>
        %max3A = arith.constant 0.000000e+00 : f32
        %max3A_149 = vector.broadcast %max3A : f32 to vector<16xf32>
        %max3A_150 = arith.maximumf %sub3A_148, %max3A_149 : vector<16xf32>
        %mul3A_151 = arith.mulf %max3A_150, %max3A_150 : vector<16xf32>
        %add3A_152 = arith.addf %scan3A_126, %mul3A_151 : vector<16xf32>
        %add3A_153 = arith.constant 36864 : i32
        %add3A_154 = vector.broadcast %add3A_153 : i32 to vector<16xi32>
        %add3A_155 = arith.addi %get3A_131, %add3A_154 : vector<16xi32>
        %gather3A_156 = tpu.vector_load_idx %arg7[%add3A_155] : memref<65536xf32, #tpu.memory_space<vmem>>[vector<16xi32>], vector<16xf32>,
        %mul3A_157 = arith.mulf %gather3A_156, %get3A_135 : vector<16xf32>
        %sub3A_158 = arith.subf %mul3A_157, %get3A_139 : vector<16xf32>
        %abs3A_159 = math.absf %sub3A_158 : vector<16xf32>
        %sub3A_160 = arith.subf %abs3A_159, %get3A_143 : vector<16xf32>
        %max3A_161 = arith.constant 0.000000e+00 : f32
        %max3A_162 = vector.broadcast %max3A_161 : f32 to vector<16xf32>
        %max3A_163 = arith.maximumf %sub3A_160, %max3A_162 : vector<16xf32>
        %mul3A_164 = arith.mulf %max3A_163, %max3A_163 : vector<16xf32>
        %add3A_165 = arith.addf %add3A_152, %mul3A_164 : vector<16xf32>
        %add3A_166 = arith.constant 40960 : i32
        %add3A_167 = vector.broadcast %add3A_166 : i32 to vector<16xi32>
        %add3A_168 = arith.addi %get3A_131, %add3A_167 : vector<16xi32>
        %gather3A_169 = tpu.vector_load_idx %arg7[%add3A_168] : memref<65536xf32, #tpu.memory_space<vmem>>[vector<16xi32>], vector<16xf32>,
        %mul3A_170 = arith.mulf %gather3A_169, %get3A_135 : vector<16xf32>
        %sub3A_171 = arith.subf %mul3A_170, %get3A_139 : vector<16xf32>
        %abs3A_172 = math.absf %sub3A_171 : vector<16xf32>
        %sub3A_173 = arith.subf %abs3A_172, %get3A_143 : vector<16xf32>
        %max3A_174 = arith.constant 0.000000e+00 : f32
        %max3A_175 = vector.broadcast %max3A_174 : f32 to vector<16xf32>
        %max3A_176 = arith.maximumf %sub3A_173, %max3A_175 : vector<16xf32>
        %mul3A_177 = arith.mulf %max3A_176, %max3A_176 : vector<16xf32>
        %add3A_178 = arith.addf %add3A_165, %mul3A_177 : vector<16xf32>
        %add3A_179 = arith.constant 45056 : i32
        %add3A_180 = vector.broadcast %add3A_179 : i32 to vector<16xi32>
        %add3A_181 = arith.addi %get3A_131, %add3A_180 : vector<16xi32>
        %gather3A_182 = tpu.vector_load_idx %arg7[%add3A_181] : memref<65536xf32, #tpu.memory_space<vmem>>[vector<16xi32>], vector<16xf32>,
        %mul3A_183 = arith.mulf %gather3A_182, %get3A_135 : vector<16xf32>
        %sub3A_184 = arith.subf %mul3A_183, %get3A_139 : vector<16xf32>
        %abs3A_185 = math.absf %sub3A_184 : vector<16xf32>
        %sub3A_186 = arith.subf %abs3A_185, %get3A_143 : vector<16xf32>
        %max3A_187 = arith.constant 0.000000e+00 : f32
        %max3A_188 = vector.broadcast %max3A_187 : f32 to vector<16xf32>
        %max3A_189 = arith.maximumf %sub3A_186, %max3A_188 : vector<16xf32>
        %mul3A_190 = arith.mulf %max3A_189, %max3A_189 : vector<16xf32>
        %add3A_191 = arith.addf %add3A_178, %mul3A_190 : vector<16xf32>
        %add3A_192 = arith.constant 49152 : i32
        %add3A_193 = vector.broadcast %add3A_192 : i32 to vector<16xi32>
        %add3A_194 = arith.addi %get3A_131, %add3A_193 : vector<16xi32>
        %gather3A_195 = tpu.vector_load_idx %arg7[%add3A_194] : memref<65536xf32, #tpu.memory_space<vmem>>[vector<16xi32>], vector<16xf32>,
        %mul3A_196 = arith.mulf %gather3A_195, %get3A_135 : vector<16xf32>
        %sub3A_197 = arith.subf %mul3A_196, %get3A_139 : vector<16xf32>
        %abs3A_198 = math.absf %sub3A_197 : vector<16xf32>
        %sub3A_199 = arith.subf %abs3A_198, %get3A_143 : vector<16xf32>
        %max3A_200 = arith.constant 0.000000e+00 : f32
        %max3A_201 = vector.broadcast %max3A_200 : f32 to vector<16xf32>
        %max3A_202 = arith.maximumf %sub3A_199, %max3A_201 : vector<16xf32>
        %mul3A_203 = arith.mulf %max3A_202, %max3A_202 : vector<16xf32>
        %add3A_204 = arith.addf %add3A_191, %mul3A_203 : vector<16xf32>
        %add3A_205 = arith.constant 53248 : i32
        %add3A_206 = vector.broadcast %add3A_205 : i32 to vector<16xi32>
        %add3A_207 = arith.addi %get3A_131, %add3A_206 : vector<16xi32>
        %gather3A_208 = tpu.vector_load_idx %arg7[%add3A_207] : memref<65536xf32, #tpu.memory_space<vmem>>[vector<16xi32>], vector<16xf32>,
        %mul3A_209 = arith.mulf %gather3A_208, %get3A_135 : vector<16xf32>
        %sub3A_210 = arith.subf %mul3A_209, %get3A_139 : vector<16xf32>
        %abs3A_211 = math.absf %sub3A_210 : vector<16xf32>
        %sub3A_212 = arith.subf %abs3A_211, %get3A_143 : vector<16xf32>
        %max3A_213 = arith.constant 0.000000e+00 : f32
        %max3A_214 = vector.broadcast %max3A_213 : f32 to vector<16xf32>
        %max3A_215 = arith.maximumf %sub3A_212, %max3A_214 : vector<16xf32>
        %mul3A_216 = arith.mulf %max3A_215, %max3A_215 : vector<16xf32>
        %add3A_217 = arith.addf %add3A_204, %mul3A_216 : vector<16xf32>
        %add3A_218 = arith.constant 57344 : i32
        %add3A_219 = vector.broadcast %add3A_218 : i32 to vector<16xi32>
        %add3A_220 = arith.addi %get3A_131, %add3A_219 : vector<16xi32>
        %gather3A_221 = tpu.vector_load_idx %arg7[%add3A_220] : memref<65536xf32, #tpu.memory_space<vmem>>[vector<16xi32>], vector<16xf32>,
        %mul3A_222 = arith.mulf %gather3A_221, %get3A_135 : vector<16xf32>
        %sub3A_223 = arith.subf %mul3A_222, %get3A_139 : vector<16xf32>
        %abs3A_224 = math.absf %sub3A_223 : vector<16xf32>
        %sub3A_225 = arith.subf %abs3A_224, %get3A_143 : vector<16xf32>
        %max3A_226 = arith.constant 0.000000e+00 : f32
        %max3A_227 = vector.broadcast %max3A_226 : f32 to vector<16xf32>
        %max3A_228 = arith.maximumf %sub3A_225, %max3A_227 : vector<16xf32>
        %mul3A_229 = arith.mulf %max3A_228, %max3A_228 : vector<16xf32>
        %add3A_230 = arith.addf %add3A_217, %mul3A_229 : vector<16xf32>
        %add3A_231 = arith.constant 61440 : i32
        %add3A_232 = vector.broadcast %add3A_231 : i32 to vector<16xi32>
        %add3A_233 = arith.addi %get3A_131, %add3A_232 : vector<16xi32>
        %gather3A_234 = tpu.vector_load_idx %arg7[%add3A_233] : memref<65536xf32, #tpu.memory_space<vmem>>[vector<16xi32>], vector<16xf32>,
        %mul3A_235 = arith.mulf %gather3A_234, %get3A_135 : vector<16xf32>
        %sub3A_236 = arith.subf %mul3A_235, %get3A_139 : vector<16xf32>
        %abs3A_237 = math.absf %sub3A_236 : vector<16xf32>
        %sub3A_238 = arith.subf %abs3A_237, %get3A_143 : vector<16xf32>
        %max3A_239 = arith.constant 0.000000e+00 : f32
        %max3A_240 = vector.broadcast %max3A_239 : f32 to vector<16xf32>
        %max3A_241 = arith.maximumf %sub3A_238, %max3A_240 : vector<16xf32>
        %mul3A_242 = arith.mulf %max3A_241, %max3A_241 : vector<16xf32>
        %add3A_243 = arith.addf %add3A_230, %mul3A_242 : vector<16xf32>
        scf.yield %add3A_243 : vector<16xf32>
      }
      %scan3A_112 = arith.constant 64 : i32
      %scan3A_113 = arith.constant 0 : i32
      %scan3A_114 = arith.constant 32 : i32
      %scan3A_115 = arith.addi %scan3A_113, %scan3A_114 : i32
      %scan3A_116 = arith.constant 1 : i32
      %scan3A_117 = scf.for %scan3A_125 = %scan3A_113 to %scan3A_115 step %scan3A_116 iter_args(%scan3A_126 = %scan3A_111) -> (vector<16xf32>)  : i32 {
        %mul3A_127 = arith.constant 16 : i32
        %mul3A_128 = arith.muli %scan3A_125, %mul3A_127 : i32
        %add3A_129 = arith.constant 0 : i32
        %add3A_130 = arith.addi %add3A_129, %mul3A_128 : i32
        %get3A = arith.index_cast %add3A_130 : i32 to index
        %get3A_131 = tpu.vector_load %arg10[%get3A] {strides = array<i32>} : memref<2560xi32, #tpu.memory_space<vmem>>, vector<16xi32>,
        %add3A_132 = arith.constant 0 : i32
        %add3A_133 = arith.addi %add3A_132, %mul3A_128 : i32
        %get3A_134 = arith.index_cast %add3A_133 : i32 to index
        %get3A_135 = tpu.vector_load %arg9[%get3A_134] {strides = array<i32>} : memref<7168xf32, #tpu.memory_space<vmem>>, vector<16xf32>,
        %add3A_136 = arith.constant 512 : i32
        %add3A_137 = arith.addi %add3A_136, %mul3A_128 : i32
        %get3A_138 = arith.index_cast %add3A_137 : i32 to index
        %get3A_139 = tpu.vector_load %arg9[%get3A_138] {strides = array<i32>} : memref<7168xf32, #tpu.memory_space<vmem>>, vector<16xf32>,
        %add3A_140 = arith.constant 1024 : i32
        %add3A_141 = arith.addi %add3A_140, %mul3A_128 : i32
        %get3A_142 = arith.index_cast %add3A_141 : i32 to index
        %get3A_143 = tpu.vector_load %arg9[%get3A_142] {strides = array<i32>} : memref<7168xf32, #tpu.memory_space<vmem>>, vector<16xf32>,
        %add3A_144 = arith.constant 4096 : i32
        %add3A_145 = vector.broadcast %add3A_144 : i32 to vector<16xi32>
        %add3A_146 = arith.addi %get3A_131, %add3A_145 : vector<16xi32>
        %gather3A = tpu.vector_load_idx %arg8[%add3A_146] : memref<8192xf32, #tpu.memory_space<vmem>>[vector<16xi32>], vector<16xf32>,
        %mul3A_147 = arith.mulf %gather3A, %get3A_135 : vector<16xf32>
        %sub3A = arith.subf %mul3A_147, %get3A_139 : vector<16xf32>
        %abs3A = math.absf %sub3A : vector<16xf32>
        %sub3A_148 = arith.subf %abs3A, %get3A_143 : vector<16xf32>
        %max3A = arith.constant 0.000000e+00 : f32
        %max3A_149 = vector.broadcast %max3A : f32 to vector<16xf32>
        %max3A_150 = arith.maximumf %sub3A_148, %max3A_149 : vector<16xf32>
        %mul3A_151 = arith.mulf %max3A_150, %max3A_150 : vector<16xf32>
        %add3A_152 = arith.addf %scan3A_126, %mul3A_151 : vector<16xf32>
        %add3A_153 = arith.constant 4608 : i32
        %add3A_154 = vector.broadcast %add3A_153 : i32 to vector<16xi32>
        %add3A_155 = arith.addi %get3A_131, %add3A_154 : vector<16xi32>
        %gather3A_156 = tpu.vector_load_idx %arg8[%add3A_155] : memref<8192xf32, #tpu.memory_space<vmem>>[vector<16xi32>], vector<16xf32>,
        %mul3A_157 = arith.mulf %gather3A_156, %get3A_135 : vector<16xf32>
        %sub3A_158 = arith.subf %mul3A_157, %get3A_139 : vector<16xf32>
        %abs3A_159 = math.absf %sub3A_158 : vector<16xf32>
        %sub3A_160 = arith.subf %abs3A_159, %get3A_143 : vector<16xf32>
        %max3A_161 = arith.constant 0.000000e+00 : f32
        %max3A_162 = vector.broadcast %max3A_161 : f32 to vector<16xf32>
        %max3A_163 = arith.maximumf %sub3A_160, %max3A_162 : vector<16xf32>
        %mul3A_164 = arith.mulf %max3A_163, %max3A_163 : vector<16xf32>
        %add3A_165 = arith.addf %add3A_152, %mul3A_164 : vector<16xf32>
        %add3A_166 = arith.constant 5120 : i32
        %add3A_167 = vector.broadcast %add3A_166 : i32 to vector<16xi32>
        %add3A_168 = arith.addi %get3A_131, %add3A_167 : vector<16xi32>
        %gather3A_169 = tpu.vector_load_idx %arg8[%add3A_168] : memref<8192xf32, #tpu.memory_space<vmem>>[vector<16xi32>], vector<16xf32>,
        %mul3A_170 = arith.mulf %gather3A_169, %get3A_135 : vector<16xf32>
        %sub3A_171 = arith.subf %mul3A_170, %get3A_139 : vector<16xf32>
        %abs3A_172 = math.absf %sub3A_171 : vector<16xf32>
        %sub3A_173 = arith.subf %abs3A_172, %get3A_143 : vector<16xf32>
        %max3A_174 = arith.constant 0.000000e+00 : f32
        %max3A_175 = vector.broadcast %max3A_174 : f32 to vector<16xf32>
        %max3A_176 = arith.maximumf %sub3A_173, %max3A_175 : vector<16xf32>
        %mul3A_177 = arith.mulf %max3A_176, %max3A_176 : vector<16xf32>
        %add3A_178 = arith.addf %add3A_165, %mul3A_177 : vector<16xf32>
        %add3A_179 = arith.constant 5632 : i32
        %add3A_180 = vector.broadcast %add3A_179 : i32 to vector<16xi32>
        %add3A_181 = arith.addi %get3A_131, %add3A_180 : vector<16xi32>
        %gather3A_182 = tpu.vector_load_idx %arg8[%add3A_181] : memref<8192xf32, #tpu.memory_space<vmem>>[vector<16xi32>], vector<16xf32>,
        %mul3A_183 = arith.mulf %gather3A_182, %get3A_135 : vector<16xf32>
        %sub3A_184 = arith.subf %mul3A_183, %get3A_139 : vector<16xf32>
        %abs3A_185 = math.absf %sub3A_184 : vector<16xf32>
        %sub3A_186 = arith.subf %abs3A_185, %get3A_143 : vector<16xf32>
        %max3A_187 = arith.constant 0.000000e+00 : f32
        %max3A_188 = vector.broadcast %max3A_187 : f32 to vector<16xf32>
        %max3A_189 = arith.maximumf %sub3A_186, %max3A_188 : vector<16xf32>
        %mul3A_190 = arith.mulf %max3A_189, %max3A_189 : vector<16xf32>
        %add3A_191 = arith.addf %add3A_178, %mul3A_190 : vector<16xf32>
        %add3A_192 = arith.constant 6144 : i32
        %add3A_193 = vector.broadcast %add3A_192 : i32 to vector<16xi32>
        %add3A_194 = arith.addi %get3A_131, %add3A_193 : vector<16xi32>
        %gather3A_195 = tpu.vector_load_idx %arg8[%add3A_194] : memref<8192xf32, #tpu.memory_space<vmem>>[vector<16xi32>], vector<16xf32>,
        %mul3A_196 = arith.mulf %gather3A_195, %get3A_135 : vector<16xf32>
        %sub3A_197 = arith.subf %mul3A_196, %get3A_139 : vector<16xf32>
        %abs3A_198 = math.absf %sub3A_197 : vector<16xf32>
        %sub3A_199 = arith.subf %abs3A_198, %get3A_143 : vector<16xf32>
        %max3A_200 = arith.constant 0.000000e+00 : f32
        %max3A_201 = vector.broadcast %max3A_200 : f32 to vector<16xf32>
        %max3A_202 = arith.maximumf %sub3A_199, %max3A_201 : vector<16xf32>
        %mul3A_203 = arith.mulf %max3A_202, %max3A_202 : vector<16xf32>
        %add3A_204 = arith.addf %add3A_191, %mul3A_203 : vector<16xf32>
        %add3A_205 = arith.constant 6656 : i32
        %add3A_206 = vector.broadcast %add3A_205 : i32 to vector<16xi32>
        %add3A_207 = arith.addi %get3A_131, %add3A_206 : vector<16xi32>
        %gather3A_208 = tpu.vector_load_idx %arg8[%add3A_207] : memref<8192xf32, #tpu.memory_space<vmem>>[vector<16xi32>], vector<16xf32>,
        %mul3A_209 = arith.mulf %gather3A_208, %get3A_135 : vector<16xf32>
        %sub3A_210 = arith.subf %mul3A_209, %get3A_139 : vector<16xf32>
        %abs3A_211 = math.absf %sub3A_210 : vector<16xf32>
        %sub3A_212 = arith.subf %abs3A_211, %get3A_143 : vector<16xf32>
        %max3A_213 = arith.constant 0.000000e+00 : f32
        %max3A_214 = vector.broadcast %max3A_213 : f32 to vector<16xf32>
        %max3A_215 = arith.maximumf %sub3A_212, %max3A_214 : vector<16xf32>
        %mul3A_216 = arith.mulf %max3A_215, %max3A_215 : vector<16xf32>
        %add3A_217 = arith.addf %add3A_204, %mul3A_216 : vector<16xf32>
        %add3A_218 = arith.constant 7168 : i32
        %add3A_219 = vector.broadcast %add3A_218 : i32 to vector<16xi32>
        %add3A_220 = arith.addi %get3A_131, %add3A_219 : vector<16xi32>
        %gather3A_221 = tpu.vector_load_idx %arg8[%add3A_220] : memref<8192xf32, #tpu.memory_space<vmem>>[vector<16xi32>], vector<16xf32>,
        %mul3A_222 = arith.mulf %gather3A_221, %get3A_135 : vector<16xf32>
        %sub3A_223 = arith.subf %mul3A_222, %get3A_139 : vector<16xf32>
        %abs3A_224 = math.absf %sub3A_223 : vector<16xf32>
        %sub3A_225 = arith.subf %abs3A_224, %get3A_143 : vector<16xf32>
        %max3A_226 = arith.constant 0.000000e+00 : f32
        %max3A_227 = vector.broadcast %max3A_226 : f32 to vector<16xf32>
        %max3A_228 = arith.maximumf %sub3A_225, %max3A_227 : vector<16xf32>
        %mul3A_229 = arith.mulf %max3A_228, %max3A_228 : vector<16xf32>
        %add3A_230 = arith.addf %add3A_217, %mul3A_229 : vector<16xf32>
        %add3A_231 = arith.constant 7680 : i32
        %add3A_232 = vector.broadcast %add3A_231 : i32 to vector<16xi32>
        %add3A_233 = arith.addi %get3A_131, %add3A_232 : vector<16xi32>
        %gather3A_234 = tpu.vector_load_idx %arg8[%add3A_233] : memref<8192xf32, #tpu.memory_space<vmem>>[vector<16xi32>], vector<16xf32>,
        %mul3A_235 = arith.mulf %gather3A_234, %get3A_135 : vector<16xf32>
        %sub3A_236 = arith.subf %mul3A_235, %get3A_139 : vector<16xf32>
        %abs3A_237 = math.absf %sub3A_236 : vector<16xf32>
        %sub3A_238 = arith.subf %abs3A_237, %get3A_143 : vector<16xf32>
        %max3A_239 = arith.constant 0.000000e+00 : f32
        %max3A_240 = vector.broadcast %max3A_239 : f32 to vector<16xf32>
        %max3A_241 = arith.maximumf %sub3A_238, %max3A_240 : vector<16xf32>
        %mul3A_242 = arith.mulf %max3A_241, %max3A_241 : vector<16xf32>
        %add3A_243 = arith.addf %add3A_230, %mul3A_242 : vector<16xf32>
        scf.yield %add3A_243 : vector<16xf32>
      }
      %scan3A_118 = arith.constant 32 : i32
      %scan3A_119 = arith.constant 0 : i32
      %scan3A_120 = arith.constant 32 : i32
      %scan3A_121 = arith.addi %scan3A_119, %scan3A_120 : i32
      %scan3A_122 = arith.constant 1 : i32
      %scan3A_123 = scf.for %scan3A_125 = %scan3A_119 to %scan3A_121 step %scan3A_122 iter_args(%scan3A_126 = %scan3A_117) -> (vector<16xf32>)  : i32 {
        %mul3A_127 = arith.constant 16 : i32
        %mul3A_128 = arith.muli %scan3A_125, %mul3A_127 : i32
        %add3A_129 = arith.constant 1536 : i32
        %add3A_130 = arith.addi %add3A_129, %mul3A_128 : i32
        %get3A = arith.index_cast %add3A_130 : i32 to index
        %get3A_131 = tpu.vector_load %arg10[%get3A] {strides = array<i32>} : memref<2560xi32, #tpu.memory_space<vmem>>, vector<16xi32>,
        %add3A_132 = arith.constant 2048 : i32
        %add3A_133 = arith.addi %add3A_132, %mul3A_128 : i32
        %get3A_134 = arith.index_cast %add3A_133 : i32 to index
        %get3A_135 = tpu.vector_load %arg10[%get3A_134] {strides = array<i32>} : memref<2560xi32, #tpu.memory_space<vmem>>, vector<16xi32>,
        %add3A_136 = arith.constant 4608 : i32
        %add3A_137 = arith.addi %add3A_136, %mul3A_128 : i32
        %get3A_138 = arith.index_cast %add3A_137 : i32 to index
        %get3A_139 = tpu.vector_load %arg9[%get3A_138] {strides = array<i32>} : memref<7168xf32, #tpu.memory_space<vmem>>, vector<16xf32>,
        %add3A_140 = arith.constant 5120 : i32
        %add3A_141 = arith.addi %add3A_140, %mul3A_128 : i32
        %get3A_142 = arith.index_cast %add3A_141 : i32 to index
        %get3A_143 = tpu.vector_load %arg9[%get3A_142] {strides = array<i32>} : memref<7168xf32, #tpu.memory_space<vmem>>, vector<16xf32>,
        %add3A_144 = arith.constant 5632 : i32
        %add3A_145 = arith.addi %add3A_144, %mul3A_128 : i32
        %get3A_146 = arith.index_cast %add3A_145 : i32 to index
        %get3A_147 = tpu.vector_load %arg9[%get3A_146] {strides = array<i32>} : memref<7168xf32, #tpu.memory_space<vmem>>, vector<16xf32>,
        %add3A_148 = arith.constant 6144 : i32
        %add3A_149 = arith.addi %add3A_148, %mul3A_128 : i32
        %get3A_150 = arith.index_cast %add3A_149 : i32 to index
        %get3A_151 = tpu.vector_load %arg9[%get3A_150] {strides = array<i32>} : memref<7168xf32, #tpu.memory_space<vmem>>, vector<16xf32>,
        %add3A_152 = arith.constant 6656 : i32
        %add3A_153 = arith.addi %add3A_152, %mul3A_128 : i32
        %get3A_154 = arith.index_cast %add3A_153 : i32 to index
        %get3A_155 = tpu.vector_load %arg9[%get3A_154] {strides = array<i32>} : memref<7168xf32, #tpu.memory_space<vmem>>, vector<16xf32>,
        %add3A_156 = arith.constant 4096 : i32
        %add3A_157 = vector.broadcast %add3A_156 : i32 to vector<16xi32>
        %add3A_158 = arith.addi %get3A_131, %add3A_157 : vector<16xi32>
        %gather3A = tpu.vector_load_idx %arg8[%add3A_158] : memref<8192xf32, #tpu.memory_space<vmem>>[vector<16xi32>], vector<16xf32>,
        %add3A_159 = arith.constant 4096 : i32
        %add3A_160 = vector.broadcast %add3A_159 : i32 to vector<16xi32>
        %add3A_161 = arith.addi %get3A_135, %add3A_160 : vector<16xi32>
        %gather3A_162 = tpu.vector_load_idx %arg8[%add3A_161] : memref<8192xf32, #tpu.memory_space<vmem>>[vector<16xi32>], vector<16xf32>,
        %mul3A_163 = arith.mulf %gather3A, %get3A_139 : vector<16xf32>
        %sub3A = arith.subf %mul3A_163, %get3A_143 : vector<16xf32>
        %mul3A_164 = arith.mulf %gather3A_162, %get3A_147 : vector<16xf32>
        %sub3A_165 = arith.subf %sub3A, %mul3A_164 : vector<16xf32>
        %ge3A = arith.cmpf oge, %gather3A, %get3A_151 : vector<16xf32>
        %le3A = arith.cmpf ole, %gather3A, %get3A_155 : vector<16xf32>
        %and3A = arith.andi %ge3A, %le3A : vector<16xi1>
        %jit3A = arith.constant 0.000000e+00 : f32
        %broadcast_in_dim3A_166 = vector.broadcast %jit3A : f32 to vector<16xf32>
        %select_n3A = arith.select %and3A, %sub3A_165, %broadcast_in_dim3A_166 : vector<16xi1>, vector<16xf32>
        %mul3A_167 = arith.mulf %select_n3A, %select_n3A : vector<16xf32>
        %add3A_168 = arith.addf %scan3A_126, %mul3A_167 : vector<16xf32>
        %add3A_169 = arith.constant 4608 : i32
        %add3A_170 = vector.broadcast %add3A_169 : i32 to vector<16xi32>
        %add3A_171 = arith.addi %get3A_131, %add3A_170 : vector<16xi32>
        %gather3A_172 = tpu.vector_load_idx %arg8[%add3A_171] : memref<8192xf32, #tpu.memory_space<vmem>>[vector<16xi32>], vector<16xf32>,
        %add3A_173 = arith.constant 4608 : i32
        %add3A_174 = vector.broadcast %add3A_173 : i32 to vector<16xi32>
        %add3A_175 = arith.addi %get3A_135, %add3A_174 : vector<16xi32>
        %gather3A_176 = tpu.vector_load_idx %arg8[%add3A_175] : memref<8192xf32, #tpu.memory_space<vmem>>[vector<16xi32>], vector<16xf32>,
        %mul3A_177 = arith.mulf %gather3A_172, %get3A_139 : vector<16xf32>
        %sub3A_178 = arith.subf %mul3A_177, %get3A_143 : vector<16xf32>
        %mul3A_179 = arith.mulf %gather3A_176, %get3A_147 : vector<16xf32>
        %sub3A_180 = arith.subf %sub3A_178, %mul3A_179 : vector<16xf32>
        %ge3A_181 = arith.cmpf oge, %gather3A_172, %get3A_151 : vector<16xf32>
        %le3A_182 = arith.cmpf ole, %gather3A_172, %get3A_155 : vector<16xf32>
        %and3A_183 = arith.andi %ge3A_181, %le3A_182 : vector<16xi1>
        %jit3A_184 = arith.constant 0.000000e+00 : f32
        %broadcast_in_dim3A_185 = vector.broadcast %jit3A_184 : f32 to vector<16xf32>
        %select_n3A_186 = arith.select %and3A_183, %sub3A_180, %broadcast_in_dim3A_185 : vector<16xi1>, vector<16xf32>
        %mul3A_187 = arith.mulf %select_n3A_186, %select_n3A_186 : vector<16xf32>
        %add3A_188 = arith.addf %add3A_168, %mul3A_187 : vector<16xf32>
        %add3A_189 = arith.constant 5120 : i32
        %add3A_190 = vector.broadcast %add3A_189 : i32 to vector<16xi32>
        %add3A_191 = arith.addi %get3A_131, %add3A_190 : vector<16xi32>
        %gather3A_192 = tpu.vector_load_idx %arg8[%add3A_191] : memref<8192xf32, #tpu.memory_space<vmem>>[vector<16xi32>], vector<16xf32>,
        %add3A_193 = arith.constant 5120 : i32
        %add3A_194 = vector.broadcast %add3A_193 : i32 to vector<16xi32>
        %add3A_195 = arith.addi %get3A_135, %add3A_194 : vector<16xi32>
        %gather3A_196 = tpu.vector_load_idx %arg8[%add3A_195] : memref<8192xf32, #tpu.memory_space<vmem>>[vector<16xi32>], vector<16xf32>,
        %mul3A_197 = arith.mulf %gather3A_192, %get3A_139 : vector<16xf32>
        %sub3A_198 = arith.subf %mul3A_197, %get3A_143 : vector<16xf32>
        %mul3A_199 = arith.mulf %gather3A_196, %get3A_147 : vector<16xf32>
        %sub3A_200 = arith.subf %sub3A_198, %mul3A_199 : vector<16xf32>
        %ge3A_201 = arith.cmpf oge, %gather3A_192, %get3A_151 : vector<16xf32>
        %le3A_202 = arith.cmpf ole, %gather3A_192, %get3A_155 : vector<16xf32>
        %and3A_203 = arith.andi %ge3A_201, %le3A_202 : vector<16xi1>
        %jit3A_204 = arith.constant 0.000000e+00 : f32
        %broadcast_in_dim3A_205 = vector.broadcast %jit3A_204 : f32 to vector<16xf32>
        %select_n3A_206 = arith.select %and3A_203, %sub3A_200, %broadcast_in_dim3A_205 : vector<16xi1>, vector<16xf32>
        %mul3A_207 = arith.mulf %select_n3A_206, %select_n3A_206 : vector<16xf32>
        %add3A_208 = arith.addf %add3A_188, %mul3A_207 : vector<16xf32>
        %add3A_209 = arith.constant 5632 : i32
        %add3A_210 = vector.broadcast %add3A_209 : i32 to vector<16xi32>
        %add3A_211 = arith.addi %get3A_131, %add3A_210 : vector<16xi32>
        %gather3A_212 = tpu.vector_load_idx %arg8[%add3A_211] : memref<8192xf32, #tpu.memory_space<vmem>>[vector<16xi32>], vector<16xf32>,
        %add3A_213 = arith.constant 5632 : i32
        %add3A_214 = vector.broadcast %add3A_213 : i32 to vector<16xi32>
        %add3A_215 = arith.addi %get3A_135, %add3A_214 : vector<16xi32>
        %gather3A_216 = tpu.vector_load_idx %arg8[%add3A_215] : memref<8192xf32, #tpu.memory_space<vmem>>[vector<16xi32>], vector<16xf32>,
        %mul3A_217 = arith.mulf %gather3A_212, %get3A_139 : vector<16xf32>
        %sub3A_218 = arith.subf %mul3A_217, %get3A_143 : vector<16xf32>
        %mul3A_219 = arith.mulf %gather3A_216, %get3A_147 : vector<16xf32>
        %sub3A_220 = arith.subf %sub3A_218, %mul3A_219 : vector<16xf32>
        %ge3A_221 = arith.cmpf oge, %gather3A_212, %get3A_151 : vector<16xf32>
        %le3A_222 = arith.cmpf ole, %gather3A_212, %get3A_155 : vector<16xf32>
        %and3A_223 = arith.andi %ge3A_221, %le3A_222 : vector<16xi1>
        %jit3A_224 = arith.constant 0.000000e+00 : f32
        %broadcast_in_dim3A_225 = vector.broadcast %jit3A_224 : f32 to vector<16xf32>
        %select_n3A_226 = arith.select %and3A_223, %sub3A_220, %broadcast_in_dim3A_225 : vector<16xi1>, vector<16xf32>
        %mul3A_227 = arith.mulf %select_n3A_226, %select_n3A_226 : vector<16xf32>
        %add3A_228 = arith.addf %add3A_208, %mul3A_227 : vector<16xf32>
        %add3A_229 = arith.constant 6144 : i32
        %add3A_230 = vector.broadcast %add3A_229 : i32 to vector<16xi32>
        %add3A_231 = arith.addi %get3A_131, %add3A_230 : vector<16xi32>
        %gather3A_232 = tpu.vector_load_idx %arg8[%add3A_231] : memref<8192xf32, #tpu.memory_space<vmem>>[vector<16xi32>], vector<16xf32>,
        %add3A_233 = arith.constant 6144 : i32
        %add3A_234 = vector.broadcast %add3A_233 : i32 to vector<16xi32>
        %add3A_235 = arith.addi %get3A_135, %add3A_234 : vector<16xi32>
        %gather3A_236 = tpu.vector_load_idx %arg8[%add3A_235] : memref<8192xf32, #tpu.memory_space<vmem>>[vector<16xi32>], vector<16xf32>,
        %mul3A_237 = arith.mulf %gather3A_232, %get3A_139 : vector<16xf32>
        %sub3A_238 = arith.subf %mul3A_237, %get3A_143 : vector<16xf32>
        %mul3A_239 = arith.mulf %gather3A_236, %get3A_147 : vector<16xf32>
        %sub3A_240 = arith.subf %sub3A_238, %mul3A_239 : vector<16xf32>
        %ge3A_241 = arith.cmpf oge, %gather3A_232, %get3A_151 : vector<16xf32>
        %le3A_242 = arith.cmpf ole, %gather3A_232, %get3A_155 : vector<16xf32>
        %and3A_243 = arith.andi %ge3A_241, %le3A_242 : vector<16xi1>
        %jit3A_244 = arith.constant 0.000000e+00 : f32
        %broadcast_in_dim3A_245 = vector.broadcast %jit3A_244 : f32 to vector<16xf32>
        %select_n3A_246 = arith.select %and3A_243, %sub3A_240, %broadcast_in_dim3A_245 : vector<16xi1>, vector<16xf32>
        %mul3A_247 = arith.mulf %select_n3A_246, %select_n3A_246 : vector<16xf32>
        %add3A_248 = arith.addf %add3A_228, %mul3A_247 : vector<16xf32>
        %add3A_249 = arith.constant 6656 : i32
        %add3A_250 = vector.broadcast %add3A_249 : i32 to vector<16xi32>
        %add3A_251 = arith.addi %get3A_131, %add3A_250 : vector<16xi32>
        %gather3A_252 = tpu.vector_load_idx %arg8[%add3A_251] : memref<8192xf32, #tpu.memory_space<vmem>>[vector<16xi32>], vector<16xf32>,
        %add3A_253 = arith.constant 6656 : i32
        %add3A_254 = vector.broadcast %add3A_253 : i32 to vector<16xi32>
        %add3A_255 = arith.addi %get3A_135, %add3A_254 : vector<16xi32>
        %gather3A_256 = tpu.vector_load_idx %arg8[%add3A_255] : memref<8192xf32, #tpu.memory_space<vmem>>[vector<16xi32>], vector<16xf32>,
        %mul3A_257 = arith.mulf %gather3A_252, %get3A_139 : vector<16xf32>
        %sub3A_258 = arith.subf %mul3A_257, %get3A_143 : vector<16xf32>
        %mul3A_259 = arith.mulf %gather3A_256, %get3A_147 : vector<16xf32>
        %sub3A_260 = arith.subf %sub3A_258, %mul3A_259 : vector<16xf32>
        %ge3A_261 = arith.cmpf oge, %gather3A_252, %get3A_151 : vector<16xf32>
        %le3A_262 = arith.cmpf ole, %gather3A_252, %get3A_155 : vector<16xf32>
        %and3A_263 = arith.andi %ge3A_261, %le3A_262 : vector<16xi1>
        %jit3A_264 = arith.constant 0.000000e+00 : f32
        %broadcast_in_dim3A_265 = vector.broadcast %jit3A_264 : f32 to vector<16xf32>
        %select_n3A_266 = arith.select %and3A_263, %sub3A_260, %broadcast_in_dim3A_265 : vector<16xi1>, vector<16xf32>
        %mul3A_267 = arith.mulf %select_n3A_266, %select_n3A_266 : vector<16xf32>
        %add3A_268 = arith.addf %add3A_248, %mul3A_267 : vector<16xf32>
        %add3A_269 = arith.constant 7168 : i32
        %add3A_270 = vector.broadcast %add3A_269 : i32 to vector<16xi32>
        %add3A_271 = arith.addi %get3A_131, %add3A_270 : vector<16xi32>
        %gather3A_272 = tpu.vector_load_idx %arg8[%add3A_271] : memref<8192xf32, #tpu.memory_space<vmem>>[vector<16xi32>], vector<16xf32>,
        %add3A_273 = arith.constant 7168 : i32
        %add3A_274 = vector.broadcast %add3A_273 : i32 to vector<16xi32>
        %add3A_275 = arith.addi %get3A_135, %add3A_274 : vector<16xi32>
        %gather3A_276 = tpu.vector_load_idx %arg8[%add3A_275] : memref<8192xf32, #tpu.memory_space<vmem>>[vector<16xi32>], vector<16xf32>,
        %mul3A_277 = arith.mulf %gather3A_272, %get3A_139 : vector<16xf32>
        %sub3A_278 = arith.subf %mul3A_277, %get3A_143 : vector<16xf32>
        %mul3A_279 = arith.mulf %gather3A_276, %get3A_147 : vector<16xf32>
        %sub3A_280 = arith.subf %sub3A_278, %mul3A_279 : vector<16xf32>
        %ge3A_281 = arith.cmpf oge, %gather3A_272, %get3A_151 : vector<16xf32>
        %le3A_282 = arith.cmpf ole, %gather3A_272, %get3A_155 : vector<16xf32>
        %and3A_283 = arith.andi %ge3A_281, %le3A_282 : vector<16xi1>
        %jit3A_284 = arith.constant 0.000000e+00 : f32
        %broadcast_in_dim3A_285 = vector.broadcast %jit3A_284 : f32 to vector<16xf32>
        %select_n3A_286 = arith.select %and3A_283, %sub3A_280, %broadcast_in_dim3A_285 : vector<16xi1>, vector<16xf32>
        %mul3A_287 = arith.mulf %select_n3A_286, %select_n3A_286 : vector<16xf32>
        %add3A_288 = arith.addf %add3A_268, %mul3A_287 : vector<16xf32>
        %add3A_289 = arith.constant 7680 : i32
        %add3A_290 = vector.broadcast %add3A_289 : i32 to vector<16xi32>
        %add3A_291 = arith.addi %get3A_131, %add3A_290 : vector<16xi32>
        %gather3A_292 = tpu.vector_load_idx %arg8[%add3A_291] : memref<8192xf32, #tpu.memory_space<vmem>>[vector<16xi32>], vector<16xf32>,
        %add3A_293 = arith.constant 7680 : i32
        %add3A_294 = vector.broadcast %add3A_293 : i32 to vector<16xi32>
        %add3A_295 = arith.addi %get3A_135, %add3A_294 : vector<16xi32>
        %gather3A_296 = tpu.vector_load_idx %arg8[%add3A_295] : memref<8192xf32, #tpu.memory_space<vmem>>[vector<16xi32>], vector<16xf32>,
        %mul3A_297 = arith.mulf %gather3A_292, %get3A_139 : vector<16xf32>
        %sub3A_298 = arith.subf %mul3A_297, %get3A_143 : vector<16xf32>
        %mul3A_299 = arith.mulf %gather3A_296, %get3A_147 : vector<16xf32>
        %sub3A_300 = arith.subf %sub3A_298, %mul3A_299 : vector<16xf32>
        %ge3A_301 = arith.cmpf oge, %gather3A_292, %get3A_151 : vector<16xf32>
        %le3A_302 = arith.cmpf ole, %gather3A_292, %get3A_155 : vector<16xf32>
        %and3A_303 = arith.andi %ge3A_301, %le3A_302 : vector<16xi1>
        %jit3A_304 = arith.constant 0.000000e+00 : f32
        %broadcast_in_dim3A_305 = vector.broadcast %jit3A_304 : f32 to vector<16xf32>
        %select_n3A_306 = arith.select %and3A_303, %sub3A_300, %broadcast_in_dim3A_305 : vector<16xi1>, vector<16xf32>
        %mul3A_307 = arith.mulf %select_n3A_306, %select_n3A_306 : vector<16xf32>
        %add3A_308 = arith.addf %add3A_288, %mul3A_307 : vector<16xf32>
        scf.yield %add3A_308 : vector<16xf32>
      }
      %scan3A_124 = arith.constant 32 : i32
      scf.yield %scan3A_123 : vector<16xf32>
    }
    %scan3A_25 = arith.constant 32 : i32
    %swap3A = arith.constant 0 : index
    %swap3A_26 = tpu.vector_load %arg11[%swap3A] {strides = array<i32>} : memref<16xf32, #tpu.memory_space<vmem>>, vector<16xf32>,
    tpu.vector_store %arg11[%swap3A], %scan3A_24 {strides = array<i32>} : memref<16xf32, #tpu.memory_space<vmem>>, vector<16xf32>,
    %mul3A_27 = arith.constant 16 : i32
    %mul3A_28 = arith.muli %add3A, %mul3A_27 : i32
    "tpu.region"() ({
      %run_scoped3A = tpu.sem_alloc : memref<!tpu.dma_semaphore, #tpu.memory_space<semaphore_mem>>
      %dma_start3A_29 = tpu.memref_slice %arg6[%mul3A_28] : memref<512xf32, #tpu.memory_space<hbm>> -> memref<16xf32, #tpu.memory_space<hbm>>
      %dma_start3A_30 = tpu.memref_slice %arg6[%mul3A_28] : memref<512xf32, #tpu.memory_space<hbm>> -> memref<16xf32, #tpu.memory_space<hbm>>
      tpu.enqueue_dma source(%arg11 : memref<16xf32, #tpu.memory_space<vmem>>) target(%dma_start3A_30 : memref<16xf32, #tpu.memory_space<hbm>>) target_semaphore(%run_scoped3A : memref<!tpu.dma_semaphore, #tpu.memory_space<semaphore_mem>>)
      %dma_wait3A = tpu.memref_slice %arg6[%mul3A_28] : memref<512xf32, #tpu.memory_space<hbm>> -> memref<16xf32, #tpu.memory_space<hbm>>
      %dma_wait3A_31 = tpu.memref_slice %arg6[%mul3A_28] : memref<512xf32, #tpu.memory_space<hbm>> -> memref<16xf32, #tpu.memory_space<hbm>>
      tpu.wait_dma2 semaphore(%run_scoped3A : memref<!tpu.dma_semaphore, #tpu.memory_space<semaphore_mem>>) src(%arg11 : memref<16xf32, #tpu.memory_space<vmem>>) dst(%dma_wait3A_31 : memref<16xf32, #tpu.memory_space<hbm>>)
      tpu.yield
    }) : () -> ()
    return
  }
}

</mosaic_0001>

<sc_bundles>
// kernel: kernel.3.cloned.1.call-start
scs
__scs_entry_jumppad:
0x0: {  	(pc) =	sbr.rel $0x88, $3  }
0x1: {  	(tag) =	ssettag $0x0;
	lr =	simm.s32 $0x1  }
0x2: {  	[smem:$0x3F90] =	sst lr;
	_ =	strace $0xD0000000  }
0x3: {  	_ = 	snop  }
0x4: {  	_ = 	snop  }
0x5: {  	_ = 	snop  }
0x6: {  	_ = 	snop  }
0x7: {  	_ = 	snop  }
__scs_overlays_trampoline_lowered:
0x8: {  	[smem:$0x3F9F] =	sst s0  }
0x9: {  	[smem:$0x3FA0] =	sst s1  }
0xa: {  	[smem:$0x3FA1] =	sst s2  }
0xb: {  	[smem:$0x3FA2] =	sst s3  }
0xc: {  	[smem:$0x3FA3] =	sst s4  }
0xd: {  	[smem:$0x3FA4] =	sst s5  }
0xe: {  	[smem:$0x3FA5] =	sst s6  }
0xf: {  	[smem:$0x3FA6] =	sst s7  }
0x10: {  	[smem:$0x3FA7] =	sst s8  }
0x11: {  	[smem:$0x3FA8] =	sst s9;
	s0 =	simm.s32 @!p0 $0x0  }
0x12: {  	s1 =	sld [smem:$0x3F8E];
	s0 =	simm.s32 @p0 $0x1  }
0x13: {  	[smem:$0x3FA9] =	sst s0;
	s0 =	simm.s32 @!p1 $0x0  }
0x14: {  	s2 =	sld [smem:$0x3F8D];
	s0 =	simm.s32 @p1 $0x1  }
0x15: {  	[smem:$0x3FAA] =	sst s0;
	s0 =	simm.s32 @!p2 $0x0  }
0x16: {  	s3 =	sld [smem:$0x3FDB];
	s0 =	simm.s32 @p2 $0x1  }
0x17: {  	s4 =	simm.s32 $0x1BF5;
	[smem:$0x3FAC] =	sst s0  }
0x18: {  	s0 =	sld [smem:$0x3F8F];
	_ =	swait.ge [sflag:s4], $0x0  }
0x19: {  	s7 =	sld [smem:$0x3F90]  }
0x1a: {  	s8 =	sadd.s32 $0xFFFFE003, lr  }
0x1b: {  	s9 =	sadd.s32 $0xFFFFFEF7, lr;
	s5 =	simm.s32 $0xFFFFFFFF;
	p2 =	slt.u32 s8, $0xFFFFF086  }
0x1c: {  	p1 =	slt.u32 s9, $0xF7A;
	s5 =	simm.s32 @!p2 $0x0  }
0x1d: {  	s5 =	simm.s32 @p1 $0x1;
	p0 =	seq.s32 s7, s2  }
0x1e: {  	s7 =	smul.u32 @!p0 $0xF7A, s2;
	p2 =	seq.s32 @!p0 s5, $0x0  }
0x1f: {  	s9 =	smul.u32 $0xF7A, s1;
	s8 =	simm.s32 @!p0 $0x1BF5;
	p2 =	por !p2, p0  }
0x20: {  	[sflag:s8] =	ssyncset.s32 @!p0 $0xFFFFF086;
	s6 =	sadd.s32 @!p0 s3, s7;
	s7 =	simm.s32 @!p0 $0x108  }
0x21: {  	s3 =	sadd.s32 s3, s9;
	s6 =	sadd.s32 @!p0 $0x88, s6;
	s7 =	simm.s32 @p2 $0x1082  }
0x22: {  	[simem:s7], [sflag:s8] =	dma.local @!p0 [hbm:s6], $0xF7A  }
0x23: {  	s9 =	sor.u32 $0xD0000000, s2;
	s6 =	simm.s32 $0x108;
	_ =	swait.ge @!p0 [sflag:s8], $0x0  }
0x24: {  	s3 =	sadd.s32 $0x88, s3;
	s6 =	simm.s32 @!p1 $0x1082;
	[sflag:s4] =	ssyncset.s32 $0xFFFFF086  }
0x25: {  	[simem:s6], [sflag:s4] =	dma.local [hbm:s3], $0xF7A  }
0x26: {  	[smem:$0x3F90] =	sst s1;
	(tag) =	ssettag s2;
	_ =	strace s9  }
0x27: {  	s1 =	sld [smem:$0x3FA0]  }
0x28: {  	s2 =	sld [smem:$0x3FA1]  }
0x29: {  	s4 =	sld [smem:$0x3FA3]  }
0x2a: {  	p0 =	seq.s32 s5, $0x0;
	s5 =	sld [smem:$0x3FA4]  }
0x2b: {  	s6 =	sld [smem:$0x3FA5]  }
0x2c: {  	s7 =	sld [smem:$0x3FA6]  }
0x2d: {  	s3 =	simm.s32 $0x108;
	s8 =	sld [smem:$0x3FA7]  }
0x2e: {  	s3 =	simm.s32 @!p0 $0x1082;
	s9 =	sld [smem:$0x3FA8]  }
0x2f: {  	lr =	sadd.s32 s0, s3;
	s0 =	sld [smem:$0x3F9F]  }
0x30: {  	s3 =	sld [smem:$0x3FA2]  }
0x31: {  	[smem:$0x3FAB] =	sst s10  }
0x32: {  	s10 =	sld [smem:$0x3FA9];
	_ =	sdelay $0x3  }
0x33: {  	p0 =	seq.s32 s10, $0x1;
	s10 =	sld [smem:$0x3FAB];
	_ =	sdelay $0x3  }
0x34: {  	[smem:$0x3FAB] =	sst s10  }
0x35: {  	s10 =	sld [smem:$0x3FAA];
	_ =	sdelay $0x3  }
0x36: {  	p1 =	seq.s32 s10, $0x1;
	s10 =	sld [smem:$0x3FAB];
	_ =	sdelay $0x3  }
0x37: {  	[smem:$0x3FAB] =	sst s10  }
0x38: {  	s10 =	sld [smem:$0x3FAC]  }
0x39: {  	_ = 	snop;
	(pc) =	sbr.ind lr, $3  }
0x3a: {  	_ = 	snop  }
0x3b: {  	_ = 	snop  }
0x3c: {  	p2 =	seq.s32 s10, $0x1;
	s10 =	sld [smem:$0x3FAB]  }
0x3d: {  	_ =	shalt  }
0x3e: {  	_ =	shalt  }
0x3f: {  	_ =	shalt  }
0x40: {  	_ =	shalt  }
0x41: {  	_ =	shalt  }
0x42: {  	_ =	shalt  }
0x43: {  	_ =	shalt  }
0x44: {  	_ =	shalt  }
0x45: {  	_ =	shalt  }
0x46: {  	_ =	shalt  }
0x47: {  	_ =	shalt  }
0x48: {  	_ =	shalt  }
0x49: {  	_ =	shalt  }
0x4a: {  	_ =	shalt  }
0x4b: {  	_ =	shalt  }
0x4c: {  	_ =	shalt  }
0x4d: {  	_ =	shalt  }
0x4e: {  	_ =	shalt  }
0x4f: {  	_ =	shalt  }
0x50: {  	_ =	shalt  }
0x51: {  	_ =	shalt  }
0x52: {  	_ =	shalt  }
0x53: {  	_ =	shalt  }
0x54: {  	_ =	shalt  }
0x55: {  	_ =	shalt  }
0x56: {  	_ =	shalt  }
0x57: {  	_ =	shalt  }
0x58: {  	_ =	shalt  }
0x59: {  	_ =	shalt  }
0x5a: {  	_ =	shalt  }
0x5b: {  	_ =	shalt  }
0x5c: {  	_ =	shalt  }
0x5d: {  	_ =	shalt  }
0x5e: {  	_ =	shalt  }
0x5f: {  	_ =	shalt  }
0x60: {  	_ =	shalt  }
0x61: {  	_ =	shalt  }
0x62: {  	_ =	shalt  }
0x63: {  	_ =	shalt  }
0x64: {  	_ =	shalt  }
0x65: {  	_ =	shalt  }
0x66: {  	_ =	shalt  }
0x67: {  	_ =	shalt  }
0x68: {  	_ =	shalt  }
0x69: {  	_ =	shalt  }
0x6a: {  	_ =	shalt  }
0x6b: {  	_ =	shalt  }
0x6c: {  	_ =	shalt  }
0x6d: {  	_ =	shalt  }
0x6e: {  	_ =	shalt  }
0x6f: {  	_ =	shalt  }
0x70: {  	_ =	shalt  }
0x71: {  	_ =	shalt  }
0x72: {  	_ =	shalt  }
0x73: {  	_ =	shalt  }
0x74: {  	_ =	shalt  }
0x75: {  	_ =	shalt  }
0x76: {  	_ =	shalt  }
0x77: {  	_ =	shalt  }
0x78: {  	_ =	shalt  }
0x79: {  	_ =	shalt  }
0x7a: {  	_ =	shalt  }
0x7b: {  	_ =	shalt  }
0x7c: {  	_ =	shalt  }
0x7d: {  	_ =	shalt  }
0x7e: {  	_ =	shalt  }
0x7f: {  	_ =	shalt  }
0x80: {  	_ =	shalt  }
0x81: {  	_ =	shalt  }
0x82: {  	_ =	shalt  }
0x83: {  	_ =	shalt  }
0x84: {  	_ =	shalt  }
0x85: {  	_ =	shalt  }
0x86: {  	_ =	shalt  }
0x87: {  	_ =	shalt  }
.Lfunc_end0:
.L_simem_size_0:
called_computation.2_lowered:
.L_overlay_start_0:
0x88: {  	s2 =	sld [smem:$0x3FD9]  }
0x89: {  	s3 =	sld [smem:$0x3FFE];
	_ =	sdelay $0x1  }
0x8a: {  	s1 =	srdreg.scid  }
0x8b: {  	s0 =	sand.u32 $0x1, s1  }
0x8c: {  	s16 =	sshll.u32 s0, $0xA;
	s2 =	sadd.s32 s3, s2  }
0x8d: {  	s2 =	sadd.s32 s2, s16  }
0x8e: {  	[smem:$0x3FB7] =	sst s2  }
0x8f: {  	_ = 	snop  }
0x90: {  	(tm) =	ssettm $0x1  }
0x91: {  	s17 =	sld [smem:$0x3FFB];
	_ =	sdelay $0x3  }
0x92: {  	_ =	strace s17  }
0x93: {  	s2 =	sld [smem:$0x3FFC];
	_ =	sdelay $0x3  }
0x94: {  	_ =	strace s2  }
0x95: {  	s2 =	sld [smem:$0x3FFD];
	_ =	sdelay $0x3  }
0x96: {  	_ =	strace s2  }
0x97: {  	_ =	strace $0x8FFFFFFF  }
0x98: {  	s18 =	sld [smem:$0x3FDB];
	_ =	sdelay $0x1  }
0x99: {  	s19 =	simm.s32 $_scs_section_size  }
0x9a: {  	s4 =	simm.s32 $_size__tile_overlayer_lowered;
	s5 =	simm.s32 $_tile_overlayer_lowered  }
0x9b: {  	s22 =	simm.s32 $0x1BFF;
	s21 =	sshll.u32 s5, $0x1;
	s2 =	sadd.s32 s19, s18  }
0x9c: {  	s6 =	simm.s32 $0x0;
	s20 =	sshll.u32 s4, $0x1;
	s4 =	sadd.s32 s21, s2  }
0x9d: {  	[timem:s6], [sflag:s22] =	dma.local [hbm:s4], s20  }
0x9e: {  	_ =	swait.ge [sflag:s22], s20  }
0x9f: {  	s3 =	ssub.s32 $0x0, s20;
	[sflag:s22] =	ssyncset.done $0x0  }
0xa0: {  	[sflag:s22] =	ssyncadd.s32 s3;
	_ =	sdelay $0x1  }
0xa1: {  	s23 =	simm.s32 $0x1B8B  }
0xa2: {  	_ =	swait.ge [sflag:s23], $0x1  }
0xa3: {  	[sflag:s23] =	ssyncset.done $0x0  }
0xa4: {  	s25 =	simm.s32 $0x1B8E;
	s24 =	sld [smem:$0x3FFE];
	[sflag:s23] =	ssyncadd.s32 $0xFFFFFFFF  }
0xa5: {  	s26 =	simm.s32 $execute0_lowered;
	[smem:$0x3FD2] =	sst s25  }
0xa6: {  	s4 =	sshll.u32 s26, $0x1;
	_ =	strace $0x8000004C;
	[dreg:$0x1] =	wrdreg $0xFFFFFFFF  }
0xa7: {  	s28 =	simm.s32 $_size_execute0_lowered;
	s2 =	sadd.s32 s2, s4;
	[dreg:$0x0] =	wrdreg $0x0  }
0xa8: {  	s4 =	sshll.u32 s28, $0x1;
	[dreg:$0x2] =	wrdreg s2  }
0xa9: {  	[dreg:$0x3] =	wrdreg s4  }
0xaa: {  	[dreg:$0x4] =	wrdreg $0xC0  }
0xab: {  	_ =	task [dreg:s6], $0x5FFFF  }
0xac: {  	[dreg:$0x1] =	wrdreg $0xFFFFFFFF  }
0xad: {  	[dreg:$0x0] =	wrdreg $0x60  }
0xae: {  	[dreg:$0x2] =	wrdreg s24  }
0xaf: {  	[dreg:$0x3] =	wrdreg $0x9  }
0xb0: {  	_ =	task.clear_ibuf [dreg:s6], $0x4FFFF;
	_ =	strace $0x9000004C  }
0xb1: {  	s29 =	simm.s32 $0x9;
	_ =	strace $0x8000004E  }
0xb2: {  	_ =	swait.ge [sflag:s29], $0x1  }
0xb3: {  	[sflag:s29] =	ssyncadd.s32 $0xFFFFFFFF  }
0xb4: {  	_ =	strace $0x9000004E  }
0xb5: {  	_ =	sfence  }
0xb6: {  	s30 =	sld [smem:$0x0];
	_ =	sdelay $0x2  }
0xb7: {  	s31 =	sshll.u32 s1, $0xD;
	s1 =	sshrl.u32 s1, $0x2  }
0xb8: {  	s3 =	sand.u32 $0x4000, s31;
	s1 =	sadd.s32 s1, s30  }
0xb9: {  	s0 =	sor.u32 s3, s0;
	s1 =	sshll.u32 s1, $0x11  }
0xba: {  	s0 =	sor.u32 s1, s0  }
0xbb: {  	s0 =	sadd.s32 $0x8F2B, s0  }
0xbc: {  	[sflag:s0] =	ssyncadd.remote.s32 $0x1  }
0xbd: {  	_ =	sfence.sel $0xFFFF  }
0xbe: {  	[dreg:$0x0] =	wrdreg $0xFFFFFFFF;
	(pc) =	sbr.abs _section_cstart, $3  }
0xbf: {  	[dreg:$0x1] =	wrdreg $0xFFFFFFFF  }
0xc0: {  	_ =	task.clear_ibuf [dreg:s6], $0x2FFFF;
	_ =	strace $0x9FFFFFFF  }
0xc1: {  	(tm) =	ssettm $0x7FFFFFFF  }
tec
execute0_lowered:
.L_overlay_start_1:
0x0: {  	(tag) =	ssettag $0x1  }
0x1: {  	s7 =	rddreg [dreg:$0x0];
	s2 =	simm.s32 $0x0;
	s4 =	srdreg.scid  }
0x2: {  	s1 =	stileid.u32;
	s13 =	simm.s32 $0x12000;
	s14 =	simm.s32 $0x5  }
0x3: {  	s15 =	simm.s32 $0x13C00;
	s16 =	simm.s32 $0x10000;
	s17 =	simm.s32 $0x8000  }
0x4: {  	s18 =	simm.s32 $0x11000;
	s19 =	simm.s32 $0x1;
	s20 =	simm.s32 $0x3  }
0x5: {  	s21 =	simm.s32 $0x2;
	s22 =	simm.s32 $0x4;
	s23 =	simm.s32 $0x14600  }
0x6: {  	s24 =	simm.s32 $0x0;
	[smem:$0x7FF] =	sst s2;
	s3 =	sadd.s32 $0x102800, s7  }
0x7: {  	s5 =	sand.u32 $0x1, s4;
	s6 =	sshll.u32 s1, $0x1;
	s4 =	sadd.s32 $0x2800, s7  }
0x8: {  	_ =	strace $0x8000004D;
	s8 =	sor.u32 s5, s6;
	s9 =	ssub.s32 $0x2, s5  }
0x9: {  	s5 =	sadd.s32 $0x902800, s7;
	s6 =	sadd.s32 $0x902C00, s7;
	s10 =	sshll.u32 s8, $0x1  }
0xa: {  	s11 =	sshrl.u32 s9, $0x1;
	s12 =	sshll.u32 s8, $0x9;
	s31 =	sshll.u32 s8, $0x12  }
0xb: {  	s8 =	sshll.u32 s8, $0xF;
	s10 =	sadd.s32 s10, s7;
	s11 =	ssub.s32 s9, s11  }
0xc: {  	s7 =	sadd.s32 s3, s31;
	s8 =	sadd.s32 s4, s8;
	s9 =	sor.u32 $0x10, s12  }
0xd: {  	s12 =	sor.u32 $0x8, s12;
	s10 =	sadd.s32 $0x902E00, s10;
	s11 =	smax.u32 s11, $0x1  }
.LBB2_1:
0xe: {  	[tilespmem:s13], [sflag:$0x5] =	stream.linear.gather [hbm4b:s5+s2], $0x1C00, $0x38;
	[tilespmem:$0x14680] =	vst v63  }
0xf: {  	_ =	swait.ge [sflag:s14], $0x1C00  }
0x10: {  	[sflag:s14] =	ssyncset.done $0x0  }
0x11: {  	[sflag:s14] =	ssyncadd.s32 $0xFFFFE400  }
0x12: {  	[tilespmem:s15], [sflag:$0x5] =	stream.linear.gather [hbm4b:s6+s2], $0xA00, $0x38;
	[tilespmem:$0x14680] =	vst v63  }
0x13: {  	_ =	swait.ge [sflag:s14], $0xA00  }
0x14: {  	[sflag:s14] =	ssyncset.done $0x0  }
0x15: {  	[sflag:s14] =	ssyncadd.s32 $0xFFFFF600  }
0x16: {  	[tilespmem:s2], [sflag:$0x1] =	stream.linear.gather [hbm4b:s7+s2], $0x8000, $0x38;
	[tilespmem:$0x14680] =	vst v63  }
0x17: {  	s25 =	simm.s32 $0x0  }
0x18: {  	v10 =	vimm.f32 $0.0e+00;
	[tilespmem:s16], [sflag:$0x3] =	stream.linear.gather [hbm4b:s8+s2], $0x1000, $0x38;
	[tilespmem:$0x14680] =	vst v63  }
.LBB2_2:
0x19: {  	s26 =	sshll.u32 s25, $0x4  }
0x1a: {  	s28 =	sor.u32 s12, s26  }
0x1b: {  	s29 =	sshll.u32 s28, $0x9  }
0x1c: {  	s28 =	sshll.u32 s28, $0x6;
	s29 =	sand.u32 $0x1FFFF000, s29  }
0x1d: {  	s28 =	sand.u32 $0x1FFFFE00, s28;
	s30 =	sadd.s32 s3, s29;
	s29 =	simm.s32 $0x0  }
0x1e: {  	[tilespmem:s17], [sflag:$0x2] =	stream.linear.gather [hbm4b:s30+s29], $0x8000, $0x38;
	[tilespmem:$0x14680] =	vst v63  }
0x1f: {  	s28 =	sadd.s32 s4, s28  }
0x20: {  	[tilespmem:s18], [sflag:$0x4] =	stream.linear.gather [hbm4b:s28+s29], $0x1000, $0x38;
	[tilespmem:$0x14680] =	vst v63  }
0x21: {  	_ =	swait.ge [sflag:s19], $0x8000  }
0x22: {  	[sflag:s19] =	ssyncset.done $0x0  }
0x23: {  	[sflag:s19] =	ssyncadd.s32 $0xFFFF8000  }
0x24: {  	_ =	swait.ge [sflag:s20], $0x1000  }
0x25: {  	[sflag:s20] =	ssyncset.done $0x0  }
0x26: {  	s31 =	sand.u32 $0x3F0, s29;
	[sflag:s20] =	ssyncadd.s32 $0xFFFFF000  }
0x27: {  	v1 =	vld [tilespmem:s31+$0x13E00];
	_ =	sdelay $0x4  }
0x28: {  	v5 =	vadd.s32 $0x1000, v1  }
0x29: {  	v0 =	vld [tilespmem:s31+$0x12E00]  }
0x2a: {  	v3 =	vld [tilespmem:s31+$0x12A00];
	v2 =	vadd.s32 $0x7000, v1  }
0x2b: {  	v9 =	vld [tilespmem:s31+$0x12600];
	v7 =	vadd.s32 $0x2000, v1  }
0x2c: {  	s28 =	simm.s32 $0x10;
	v8 =	vadd.s32 $0x5000, v1;
	v11 =	vld.idx.msk [tilespmem:v1+s29+$0x0], $0xffff  }
0x2d: {  	s30 =	sand.u32 $0x3F0, s28;
	v12 =	vadd.s32 $0x3000, v1;
	v14 =	vld.idx.msk [tilespmem:v5+s29+$0x0], $0xffff  }
0x2e: {  	v4 =	vld [tilespmem:s30+$0x13E00];
	v6 =	vadd.s32 $0x6000, v1  }
0x2f: {  	v17 =	vadd.s32 $0x4000, v1;
	v13 =	vld.idx.msk [tilespmem:v2+s29+$0x0], $0xffff  }
0x30: {  	v15 =	vld.idx.msk [tilespmem:v7+s29+$0x0], $0xffff  }
0x31: {  	v18 =	vld.idx.msk [tilespmem:v8+s29+$0x0], $0xffff  }
0x32: {  	v19 =	vld.idx.msk [tilespmem:v12+s29+$0x0], $0xffff;
	v7 =	vmul.f32 v11, v9;
	v14 =	vmul.f32 v14, v9  }
0x33: {  	v1 =	vadd.s32 $0x3000, v4;
	v16 =	vld.idx.msk [tilespmem:v6+s29+$0x0], $0xffff;
	v6 =	vadd.s32 $0x7000, v4  }
0x34: {  	v5 =	vadd.s32 $0x6000, v4;
	v12 =	vsub.f32 v7, v3;
	v20 =	vsub.f32 v14, v3;
	v14 =	vld.idx.msk [tilespmem:v17+s29+$0x0], $0xffff  }
0x35: {  	v2 =	vadd.s32 $0x5000, v4;
	v8 =	vadd.s32 $0x1000, v4;
	v7 =	vadd.s32 $0x2000, v4  }
0x36: {  	v11 =	vmul.f32 v13, v9;
	v21 =	vmul.f32 v15, v9;
	v12 =	vand.u32 $0x7FFFFFFF, v12  }
0x37: {  	v13 =	vmul.f32 v18, v9;
	v17 =	vmul.f32 v19, v9;
	v15 =	vsub.f32 v12, v0  }
0x38: {  	s31 =	simm.s32 $0x20;
	v12 =	vmul.f32 v16, v9;
	v16 =	vsub.f32 v21, v3;
	v18 =	vand.u32 $0x7FFFFFFF, v20  }
.LBB2_3:
0x39: {  	p0 =	sne.s32 s31, $0x3F0;
	v15 =	vmax.f32 v15, $0.0e+00;
	v18 =	vsub.f32 v18, v0;
	v9 =	vmul.f32 v14, v9  }
0x3a: {  	v14 =	vmul.f32 v15, v15;
	v15 =	vand.u32 $0x7FFFFFFF, v16;
	v16 =	vsub.f32 v17, v3  }
0x3b: {  	v17 =	vmax.f32 v18, $0.0e+00;
	v15 =	vsub.f32 v15, v0;
	v9 =	vsub.f32 v9, v3  }
0x3c: {  	v10 =	vadd.f32 v14, v10;
	v14 =	vmul.f32 v17, v17;
	v16 =	vand.u32 $0x7FFFFFFF, v16  }
0x3d: {  	v13 =	vsub.f32 v13, v3;
	v17 =	vld [tilespmem:s30+$0x12E00];
	v15 =	vmax.f32 v15, $0.0e+00;
	v16 =	vsub.f32 v16, v0  }
0x3e: {  	v18 =	vld [tilespmem:s30+$0x12A00];
	v10 =	vadd.f32 v14, v10;
	v14 =	vmul.f32 v15, v15;
	v15 =	vand.u32 $0x7FFFFFFF, v9  }
0x3f: {  	v12 =	vsub.f32 v12, v3;
	v9 =	vld [tilespmem:s30+$0x12600];
	s30 =	sand.u32 $0x3F0, s31;
	v16 =	vmax.f32 v16, $0.0e+00;
	v15 =	vsub.f32 v15, v0  }
0x40: {  	v13 =	vand.u32 $0x7FFFFFFF, v13;
	v19 =	vld [tilespmem:s30+$0x13E00];
	v10 =	vadd.f32 v14, v10;
	v14 =	vmul.f32 v16, v16  }
0x41: {  	v11 =	vsub.f32 v11, v3;
	v13 =	vsub.f32 v13, v0;
	v16 =	vld.idx.msk [tilespmem:v4+s29+$0x0], $0xffff;
	v15 =	vmax.f32 v15, $0.0e+00  }
0x42: {  	v20 =	vld.idx.msk [tilespmem:v6+s29+$0x0], $0xffff;
	v6 =	vadd.f32 v14, v10;
	v10 =	vmul.f32 v15, v15;
	v14 =	vand.u32 $0x7FFFFFFF, v12  }
0x43: {  	v21 =	vmax.f32 v13, $0.0e+00;
	v12 =	vadd.s32 $0x4000, v4;
	v8 =	vld.idx.msk [tilespmem:v8+s29+$0x0], $0xffff;
	v13 =	vsub.f32 v14, v0;
	v3 =	vmovc v18  }
0x44: {  	v14 =	vmul.f32 v21, v21;
	v18 =	vld.idx.msk [tilespmem:v5+s29+$0x0], $0xffff;
	v10 =	vadd.f32 v10, v6;
	v5 =	vand.u32 $0x7FFFFFFF, v11  }
0x45: {  	v6 =	vadd.s32 $0x7000, v19;
	v15 =	vld.idx.msk [tilespmem:v7+s29+$0x0], $0xffff;
	v7 =	vmax.f32 v13, $0.0e+00;
	v11 =	vsub.f32 v5, v0;
	v0 =	vmovc v17;
	v4 =	vmovc v19  }
0x46: {  	v5 =	vadd.s32 $0x6000, v4;
	v13 =	vld.idx.msk [tilespmem:v2+s29+$0x0], $0xffff;
	v10 =	vadd.f32 v14, v10;
	v7 =	vmul.f32 v7, v7  }
0x47: {  	v2 =	vadd.s32 $0x5000, v4;
	v16 =	vmul.f32 v16, v9;
	v17 =	vld.idx.msk [tilespmem:v1+s29+$0x0], $0xffff;
	v11 =	vmax.f32 v11, $0.0e+00  }
0x48: {  	v1 =	vadd.s32 $0x3000, v4;
	v14 =	vld.idx.msk [tilespmem:v12+s29+$0x0], $0xffff;
	v10 =	vadd.f32 v7, v10;
	v12 =	vmul.f32 v11, v11  }
.Ltmp0:
0x49: {  	v7 =	vadd.s32 $0x2000, v4;
	v16 =	vsub.f32 v16, v3;
	v19 =	vmul.f32 v8, v9;
	(pc) =	sbr.rel @p0 .LBB2_3-.Ltmp0, $4  }
0x4a: {  	v8 =	vadd.s32 $0x1000, v4;
	v11 =	vmul.f32 v20, v9;
	v10 =	vadd.f32 v12, v10  }
0x4b: {  	v12 =	vand.u32 $0x7FFFFFFF, v16;
	v16 =	vsub.f32 v19, v3;
	v19 =	vmul.f32 v15, v9  }
0x4c: {  	v15 =	vsub.f32 v12, v0;
	v13 =	vmul.f32 v13, v9;
	v12 =	vmul.f32 v18, v9  }
0x4d: {  	s31 =	sadd.s32 $0x10, s31;
	v18 =	vand.u32 $0x7FFFFFFF, v16;
	v16 =	vsub.f32 v19, v3;
	v17 =	vmul.f32 v17, v9  }
0x4e: {  	v15 =	vmax.f32 v15, $0.0e+00  }
0x4f: {  	v18 =	vsub.f32 v18, v0;
	v9 =	vmul.f32 v14, v9;
	v13 =	vsub.f32 v13, v3  }
0x50: {  	v12 =	vsub.f32 v12, v3;
	v14 =	vmul.f32 v15, v15;
	v15 =	vand.u32 $0x7FFFFFFF, v16  }
0x51: {  	v16 =	vsub.f32 v17, v3;
	v17 =	vmax.f32 v18, $0.0e+00;
	v15 =	vsub.f32 v15, v0  }
0x52: {  	v9 =	vsub.f32 v9, v3;
	v13 =	vand.u32 $0x7FFFFFFF, v13;
	v3 =	vsub.f32 v11, v3  }
0x53: {  	v6 =	vld.idx.msk [tilespmem:v6+s29+$0x0], $0xffff;
	v10 =	vadd.f32 v14, v10;
	v14 =	vmul.f32 v17, v17;
	v16 =	vand.u32 $0x7FFFFFFF, v16  }
0x54: {  	v8 =	vld.idx.msk [tilespmem:v8+s29+$0x0], $0xffff;
	v12 =	vand.u32 $0x7FFFFFFF, v12;
	v15 =	vmax.f32 v15, $0.0e+00;
	v16 =	vsub.f32 v16, v0  }
0x55: {  	v2 =	vld.idx.msk [tilespmem:v2+s29+$0x0], $0xffff;
	v9 =	vand.u32 $0x7FFFFFFF, v9;
	v10 =	vadd.f32 v14, v10;
	v14 =	vmul.f32 v15, v15  }
0x56: {  	v11 =	vld.idx.msk [tilespmem:v4+s29+$0x0], $0xffff;
	v4 =	vadd.s32 $0x4000, v4;
	v9 =	vsub.f32 v9, v0;
	v16 =	vmax.f32 v16, $0.0e+00  }
0x57: {  	v13 =	vsub.f32 v13, v0;
	v10 =	vadd.f32 v14, v10;
	v14 =	vmul.f32 v16, v16;
	v16 =	vld [tilespmem:s30+$0x12600]  }
0x58: {  	v1 =	vld.idx.msk [tilespmem:v1+s29+$0x0], $0xffff;
	v12 =	vsub.f32 v12, v0;
	v3 =	vand.u32 $0x7FFFFFFF, v3;
	v9 =	vmax.f32 v9, $0.0e+00  }
0x59: {  	v0 =	vsub.f32 v3, v0;
	v3 =	vld.idx.msk [tilespmem:v7+s29+$0x0], $0xffff;
	v9 =	vmul.f32 v9, v9;
	v10 =	vadd.f32 v14, v10  }
0x5a: {  	v17 =	vld [tilespmem:s30+$0x12A00];
	v13 =	vmax.f32 v13, $0.0e+00  }
0x5b: {  	v0 =	vmax.f32 v0, $0.0e+00;
	v4 =	vld.idx.msk [tilespmem:v4+s29+$0x0], $0xffff;
	v9 =	vadd.f32 v9, v10;
	v10 =	vmul.f32 v13, v13  }
0x5c: {  	v5 =	vld.idx.msk [tilespmem:v5+s29+$0x0], $0xffff;
	v12 =	vmax.f32 v12, $0.0e+00;
	v0 =	vmul.f32 v0, v0;
	v8 =	vmul.f32 v8, v16  }
0x5d: {  	v15 =	vld [tilespmem:s30+$0x12E00];
	v7 =	vadd.f32 v10, v9;
	v9 =	vmul.f32 v12, v12;
	v10 =	vmul.f32 v11, v16  }
0x5e: {  	v6 =	vmul.f32 v6, v16;
	v3 =	vmul.f32 v3, v16  }
0x5f: {  	v2 =	vmul.f32 v2, v16;
	v7 =	vadd.f32 v9, v7;
	v9 =	vsub.f32 v10, v17  }
0x60: {  	v1 =	vmul.f32 v1, v16;
	v4 =	vmul.f32 v4, v16  }
0x61: {  	v8 =	vsub.f32 v8, v17;
	v0 =	vadd.f32 v0, v7;
	v7 =	vand.u32 $0x7FFFFFFF, v9  }
0x62: {  	v5 =	vmul.f32 v5, v16;
	v3 =	vsub.f32 v3, v17;
	v7 =	vsub.f32 v7, v15  }
0x63: {  	v1 =	vsub.f32 v1, v17;
	v4 =	vsub.f32 v4, v17;
	v8 =	vand.u32 $0x7FFFFFFF, v8  }
0x64: {  	v2 =	vsub.f32 v2, v17;
	v8 =	vsub.f32 v8, v15;
	v7 =	vmax.f32 v7, $0.0e+00  }
0x65: {  	v5 =	vsub.f32 v5, v17;
	v3 =	vand.u32 $0x7FFFFFFF, v3;
	v7 =	vmul.f32 v7, v7  }
0x66: {  	s30 =	simm.s32 $0x13C00;
	v1 =	vand.u32 $0x7FFFFFFF, v1;
	v3 =	vsub.f32 v3, v15;
	v8 =	vmax.f32 v8, $0.0e+00  }
0x67: {  	v4 =	vand.u32 $0x7FFFFFFF, v4;
	v0 =	vadd.f32 v7, v0;
	v7 =	vmul.f32 v8, v8;
	v8 =	vld [tilespmem:s30+$0x0]  }
0x68: {  	v2 =	vand.u32 $0x7FFFFFFF, v2;
	v1 =	vsub.f32 v1, v15;
	v3 =	vmax.f32 v3, $0.0e+00  }
0x69: {  	v2 =	vsub.f32 v2, v15;
	v3 =	vmul.f32 v3, v3;
	v0 =	vadd.f32 v7, v0  }
0x6a: {  	v5 =	vand.u32 $0x7FFFFFFF, v5;
	v4 =	vsub.f32 v4, v15;
	v1 =	vmax.f32 v1, $0.0e+00  }
0x6b: {  	v1 =	vmul.f32 v1, v1;
	s30 =	sand.u32 $0x1F0, s29;
	s29 =	simm.s32 $0x12000;
	v7 =	vmax.f32 v2, $0.0e+00;
	v0 =	vadd.f32 v3, v0  }
0x6c: {  	v18 =	vld [tilespmem:s29+$0x0];
	v3 =	vmax.f32 v4, $0.0e+00;
	v4 =	vsub.f32 v6, v17;
	v6 =	vadd.s32 $0xE00, v8  }
0x6d: {  	v2 =	vld [tilespmem:s30+$0x12200];
	v3 =	vmul.f32 v3, v3;
	v9 =	vadd.s32 $0x200, v8;
	v1 =	vadd.f32 v1, v0  }
0x6e: {  	v5 =	vsub.f32 v5, v15;
	v7 =	vmul.f32 v7, v7;
	v11 =	vadd.s32 $0x400, v8;
	v0 =	vld [tilespmem:s30+$0x12400];
	s30 =	simm.s32 $0x13C10  }
0x6f: {  	v12 =	vadd.s32 $0xA00, v8;
	v10 =	vand.u32 $0x7FFFFFFF, v4;
	v4 =	vld [tilespmem:s30+$0x0];
	v1 =	vadd.f32 v3, v1  }
0x70: {  	v5 =	vmax.f32 v5, $0.0e+00;
	v3 =	vadd.s32 $0xC00, v8;
	v13 =	vld.idx.msk [tilespmem:v8+s16+$0x0], $0xffff  }
0x71: {  	v10 =	vsub.f32 v10, v15;
	v1 =	vadd.f32 v7, v1;
	v7 =	vadd.s32 $0x600, v8;
	v14 =	vld.idx.msk [tilespmem:v6+s16+$0x0], $0xffff  }
0x72: {  	v5 =	vmul.f32 v5, v5;
	v9 =	vld.idx.msk [tilespmem:v9+s16+$0x0], $0xffff;
	v8 =	vadd.s32 $0x800, v8  }
0x73: {  	v6 =	vmax.f32 v10, $0.0e+00;
	v15 =	vld.idx.msk [tilespmem:v11+s16+$0x0], $0xffff  }
0x74: {  	v12 =	vld.idx.msk [tilespmem:v12+s16+$0x0], $0xffff;
	v1 =	vadd.f32 v5, v1;
	v5 =	vmul.f32 v6, v6  }
0x75: {  	v6 =	vadd.s32 $0xE00, v4;
	v10 =	vld.idx.msk [tilespmem:v3+s16+$0x0], $0xffff;
	v13 =	vmul.f32 v13, v18  }
0x76: {  	v3 =	vadd.s32 $0x600, v4;
	v11 =	vadd.f32 v5, v1;
	v1 =	vadd.s32 $0xC00, v4;
	v16 =	vld.idx.msk [tilespmem:v7+s16+$0x0], $0xffff  }
0x77: {  	v5 =	vadd.s32 $0xA00, v4;
	v19 =	vld.idx.msk [tilespmem:v8+s16+$0x0], $0xffff;
	v13 =	vsub.f32 v13, v2;
	v17 =	vmul.f32 v9, v18  }
0x78: {  	v7 =	vadd.s32 $0x400, v4;
	v8 =	vadd.s32 $0x200, v4;
	v9 =	vmul.f32 v14, v18  }
0x79: {  	v15 =	vmul.f32 v15, v18;
	v13 =	vand.u32 $0x7FFFFFFF, v13;
	v14 =	vsub.f32 v17, v2  }
0x7a: {  	v12 =	vmul.f32 v12, v18;
	v17 =	vsub.f32 v13, v0;
	v10 =	vmul.f32 v10, v18  }
0x7b: {  	v13 =	vsub.f32 v15, v2;
	v20 =	vand.u32 $0x7FFFFFFF, v14;
	v14 =	vmul.f32 v16, v18  }
0x7c: {  	s31 =	simm.s32 $0x20;
	v17 =	vmax.f32 v17, $0.0e+00;
	v16 =	vsub.f32 v20, v0;
	v15 =	vmul.f32 v19, v18  }
.LBB2_5:
0x7d: {  	p0 =	sne.s32 s31, $0x1F0;
	v17 =	vmul.f32 v17, v17;
	v13 =	vand.u32 $0x7FFFFFFF, v13;
	v14 =	vsub.f32 v14, v2  }
0x7e: {  	v16 =	vmax.f32 v16, $0.0e+00;
	v13 =	vsub.f32 v13, v0;
	v15 =	vsub.f32 v15, v2  }
0x7f: {  	s0 =	sand.u32 $0x1F0, s28;
	s28 =	smov.u32 s31;
	v11 =	vadd.f32 v17, v11;
	v16 =	vmul.f32 v16, v16;
	v14 =	vand.u32 $0x7FFFFFFF, v14  }
0x80: {  	v12 =	vsub.f32 v12, v2;
	v17 =	vld [tilespmem:s0+$0x12400];
	v13 =	vmax.f32 v13, $0.0e+00;
	v14 =	vsub.f32 v14, v0  }
0x81: {  	s29 =	sadd.s32 $0x10, s29;
	v15 =	vand.u32 $0x7FFFFFFF, v15;
	v18 =	vld [tilespmem:s0+$0x12200];
	v11 =	vadd.f32 v16, v11;
	v13 =	vmul.f32 v13, v13  }
0x82: {  	s30 =	sadd.s32 $0x10, s30;
	v10 =	vsub.f32 v10, v2;
	v15 =	vsub.f32 v15, v0;
	v19 =	vld [tilespmem:s29+$0x0];
	v14 =	vmax.f32 v14, $0.0e+00  }
0x83: {  	v12 =	vand.u32 $0x7FFFFFFF, v12;
	v16 =	vld [tilespmem:s30+$0x0];
	v11 =	vadd.f32 v13, v11;
	v13 =	vmul.f32 v14, v14  }
0x84: {  	v9 =	vsub.f32 v9, v2;
	v12 =	vsub.f32 v12, v0;
	v15 =	vmax.f32 v15, $0.0e+00;
	v14 =	vld.idx.msk [tilespmem:v4+s16+$0x0], $0xffff  }
0x85: {  	v20 =	vld.idx.msk [tilespmem:v6+s16+$0x0], $0xffff;
	v6 =	vadd.f32 v13, v11;
	v11 =	vmul.f32 v15, v15;
	v13 =	vand.u32 $0x7FFFFFFF, v10  }
0x86: {  	v21 =	vmax.f32 v12, $0.0e+00;
	v10 =	vadd.s32 $0x800, v4;
	v8 =	vld.idx.msk [tilespmem:v8+s16+$0x0], $0xffff;
	v12 =	vsub.f32 v13, v0;
	v2 =	vmovc v18  }
0x87: {  	v15 =	vmul.f32 v21, v21;
	v13 =	vld.idx.msk [tilespmem:v1+s16+$0x0], $0xffff;
	v11 =	vadd.f32 v11, v6;
	v1 =	vand.u32 $0x7FFFFFFF, v9  }
0x88: {  	v6 =	vadd.s32 $0xE00, v16;
	v18 =	vld.idx.msk [tilespmem:v7+s16+$0x0], $0xffff;
	v7 =	vmax.f32 v12, $0.0e+00;
	v9 =	vsub.f32 v1, v0;
	v0 =	vmovc v17;
	v4 =	vmovc v16  }
0x89: {  	v1 =	vadd.s32 $0xC00, v4;
	v12 =	vld.idx.msk [tilespmem:v5+s16+$0x0], $0xffff;
	v11 =	vadd.f32 v15, v11;
	v7 =	vmul.f32 v7, v7  }
0x8a: {  	v5 =	vadd.s32 $0xA00, v4;
	v14 =	vmul.f32 v14, v19;
	v15 =	vld.idx.msk [tilespmem:v3+s16+$0x0], $0xffff;
	v9 =	vmax.f32 v9, $0.0e+00  }
0x8b: {  	v3 =	vadd.s32 $0x600, v4;
	v21 =	vld.idx.msk [tilespmem:v10+s16+$0x0], $0xffff;
	v10 =	vadd.f32 v7, v11;
	v11 =	vmul.f32 v9, v9  }
0x8c: {  	v7 =	vadd.s32 $0x400, v4;
	v14 =	vsub.f32 v14, v2;
	v16 =	vmul.f32 v8, v19  }
.Ltmp1:
0x8d: {  	v8 =	vadd.s32 $0x200, v4;
	v9 =	vmul.f32 v20, v19;
	v11 =	vadd.f32 v11, v10;
	(pc) =	sbr.rel @p0 .LBB2_5-.Ltmp1, $4  }
0x8e: {  	v10 =	vand.u32 $0x7FFFFFFF, v14;
	v14 =	vsub.f32 v16, v2;
	v16 =	vmul.f32 v18, v19  }
0x8f: {  	v17 =	vsub.f32 v10, v0;
	v12 =	vmul.f32 v12, v19;
	v10 =	vmul.f32 v13, v19  }
0x90: {  	v18 =	vand.u32 $0x7FFFFFFF, v14;
	v13 =	vsub.f32 v16, v2;
	v14 =	vmul.f32 v15, v19  }
0x91: {  	s31 =	sadd.s32 $0x10, s31;
	v17 =	vmax.f32 v17, $0.0e+00;
	v16 =	vsub.f32 v18, v0;
	v15 =	vmul.f32 v21, v19  }
0x92: {  	v17 =	vmul.f32 v17, v17;
	v14 =	vsub.f32 v14, v2  }
0x93: {  	v13 =	vand.u32 $0x7FFFFFFF, v13;
	v12 =	vsub.f32 v12, v2;
	v10 =	vsub.f32 v10, v2  }
0x94: {  	v13 =	vsub.f32 v13, v0;
	v15 =	vsub.f32 v15, v2  }
0x95: {  	v16 =	vmax.f32 v16, $0.0e+00;
	v2 =	vsub.f32 v9, v2;
	v11 =	vadd.f32 v17, v11  }
0x96: {  	v8 =	vld.idx.msk [tilespmem:v8+s16+$0x0], $0xffff;
	v16 =	vmul.f32 v16, v16;
	v14 =	vand.u32 $0x7FFFFFFF, v14;
	v12 =	vand.u32 $0x7FFFFFFF, v12  }
0x97: {  	v6 =	vld.idx.msk [tilespmem:v6+s16+$0x0], $0xffff;
	v10 =	vand.u32 $0x7FFFFFFF, v10;
	v13 =	vmax.f32 v13, $0.0e+00;
	v14 =	vsub.f32 v14, v0  }
0x98: {  	s0 =	sand.u32 $0x1F0, s28;
	s28 =	sadd.s32 $0x10, s29;
	v7 =	vld.idx.msk [tilespmem:v7+s16+$0x0], $0xffff;
	v15 =	vand.u32 $0x7FFFFFFF, v15;
	v11 =	vadd.f32 v16, v11;
	v13 =	vmul.f32 v13, v13  }
0x99: {  	v17 =	vld [tilespmem:s28+$0x0];
	v12 =	vsub.f32 v12, v0;
	v10 =	vsub.f32 v10, v0;
	v14 =	vmax.f32 v14, $0.0e+00  }
0x9a: {  	v2 =	vand.u32 $0x7FFFFFFF, v2;
	v11 =	vadd.f32 v13, v11;
	v13 =	vmul.f32 v14, v14;
	v14 =	vld.idx.msk [tilespmem:v4+s16+$0x0], $0xffff  }
0x9b: {  	v3 =	vld.idx.msk [tilespmem:v3+s16+$0x0], $0xffff;
	v15 =	vsub.f32 v15, v0;
	v0 =	vsub.f32 v2, v0  }
0x9c: {  	v18 =	vld [tilespmem:s0+$0x12200];
	v10 =	vmax.f32 v10, $0.0e+00  }
0x9d: {  	v1 =	vld.idx.msk [tilespmem:v1+s16+$0x0], $0xffff;
	v15 =	vmax.f32 v15, $0.0e+00;
	v10 =	vmul.f32 v10, v10;
	v0 =	vmax.f32 v0, $0.0e+00  }
0x9e: {  	v16 =	vld [tilespmem:s0+$0x12400];
	v4 =	vadd.s32 $0x800, v4;
	v8 =	vmul.f32 v8, v17;
	v0 =	vmul.f32 v0, v0  }
0x9f: {  	v2 =	vld.idx.msk [tilespmem:v5+s16+$0x0], $0xffff;
	v9 =	vadd.f32 v13, v11;
	v11 =	vmul.f32 v15, v15;
	v5 =	vmul.f32 v14, v17  }
0xa0: {  	v12 =	vmax.f32 v12, $0.0e+00;
	v6 =	vmul.f32 v6, v17;
	v7 =	vmul.f32 v7, v17  }
0xa1: {  	v9 =	vadd.f32 v11, v9;
	v11 =	vmul.f32 v12, v12;
	v5 =	vsub.f32 v5, v18  }
0xa2: {  	v3 =	vmul.f32 v3, v17;
	v1 =	vmul.f32 v1, v17;
	v8 =	vsub.f32 v8, v18  }
0xa3: {  	v7 =	vsub.f32 v7, v18;
	v4 =	vld.idx.msk [tilespmem:v4+s16+$0x0], $0xffff;
	v9 =	vadd.f32 v11, v9;
	v5 =	vand.u32 $0x7FFFFFFF, v5  }
0xa4: {  	v2 =	vmul.f32 v2, v17;
	v3 =	vsub.f32 v3, v18;
	v5 =	vsub.f32 v5, v16  }
0xa5: {  	v1 =	vsub.f32 v1, v18;
	v8 =	vand.u32 $0x7FFFFFFF, v8;
	v9 =	vadd.f32 v10, v9  }
0xa6: {  	v6 =	vsub.f32 v6, v18;
	v8 =	vsub.f32 v8, v16;
	v5 =	vmax.f32 v5, $0.0e+00  }
0xa7: {  	v7 =	vand.u32 $0x7FFFFFFF, v7;
	v0 =	vadd.f32 v0, v9;
	v5 =	vmul.f32 v5, v5  }
0xa8: {  	s30 =	simm.s32 $0x0;
	v7 =	vsub.f32 v7, v16;
	v8 =	vmax.f32 v8, $0.0e+00;
	v4 =	vmul.f32 v4, v17  }
0xa9: {  	s0 =	sand.u32 $0x1F0, s30;
	v3 =	vand.u32 $0x7FFFFFFF, v3;
	v0 =	vadd.f32 v5, v0;
	v5 =	vmul.f32 v8, v8  }
0xaa: {  	v2 =	vsub.f32 v2, v18;
	v7 =	vmax.f32 v7, $0.0e+00;
	v4 =	vsub.f32 v4, v18;
	v8 =	vld [tilespmem:s0+$0x14200]  }
0xab: {  	v3 =	vsub.f32 v3, v16;
	v0 =	vadd.f32 v5, v0;
	v5 =	vmul.f32 v7, v7;
	v7 =	vld [tilespmem:s0+$0x14400]  }
0xac: {  	v1 =	vand.u32 $0x7FFFFFFF, v1;
	v6 =	vand.u32 $0x7FFFFFFF, v6;
	v4 =	vand.u32 $0x7FFFFFFF, v4  }
0xad: {  	v13 =	vld [tilespmem:s0+$0x13800];
	v1 =	vsub.f32 v1, v16;
	v3 =	vmax.f32 v3, $0.0e+00;
	v4 =	vsub.f32 v4, v16  }
0xae: {  	v11 =	vld [tilespmem:s0+$0x13200];
	v2 =	vand.u32 $0x7FFFFFFF, v2;
	v3 =	vmul.f32 v3, v3;
	v0 =	vadd.f32 v5, v0  }
0xaf: {  	v2 =	vsub.f32 v2, v16;
	v9 =	vld [tilespmem:s0+$0x13A00];
	v4 =	vmax.f32 v4, $0.0e+00;
	v12 =	vadd.s32 $0x400, v8  }
0xb0: {  	v5 =	vld [tilespmem:s0+$0x13400];
	v17 =	vadd.s32 $0xE00, v8;
	v0 =	vadd.f32 v3, v0;
	v3 =	vmul.f32 v4, v4  }
0xb1: {  	v6 =	vsub.f32 v6, v16;
	v2 =	vmax.f32 v2, $0.0e+00;
	v20 =	vadd.s32 $0x600, v8;
	v4 =	vld [tilespmem:s0+$0x13600]  }
0xb2: {  	v2 =	vmul.f32 v2, v2;
	v10 =	vadd.s32 $0x200, v7;
	v0 =	vadd.f32 v3, v0;
	v16 =	vld.idx.msk [tilespmem:v8+s16+$0x0], $0xffff  }
0xb3: {  	v1 =	vmax.f32 v1, $0.0e+00;
	v19 =	vadd.s32 $0x800, v7;
	v14 =	vld.idx.msk [tilespmem:v7+s16+$0x0], $0xffff  }
0xb4: {  	v1 =	vmul.f32 v1, v1;
	v15 =	vadd.s32 $0x400, v7;
	v0 =	vadd.f32 v2, v0;
	v12 =	vld.idx.msk [tilespmem:v12+s16+$0x0], $0xffff  }
0xb5: {  	v6 =	vmax.f32 v6, $0.0e+00;
	v21 =	vadd.s32 $0xA00, v7;
	v3 =	vadd.s32 $0x600, v7;
	v17 =	vld.idx.msk [tilespmem:v17+s16+$0x0], $0xffff  }
0xb6: {  	v2 =	vadd.s32 $0xA00, v8;
	v20 =	vld.idx.msk [tilespmem:v20+s16+$0x0], $0xffff;
	v0 =	vadd.f32 v1, v0;
	v1 =	vmul.f32 v6, v6  }
0xb7: {  	v10 =	vld.idx.msk [tilespmem:v10+s16+$0x0], $0xffff;
	v6 =	vadd.s32 $0xC00, v8;
	v22 =	vmul.f32 v16, v11;
	vm0 =	vge.f32 v16, v13  }
0xb8: {  	v19 =	vld.idx.msk [tilespmem:v19+s16+$0x0], $0xffff;
	vm1 =	vle.f32 v16, v9;
	v18 =	vadd.f32 v1, v0;
	v1 =	vadd.s32 $0xE00, v7  }
0xb9: {  	v0 =	vld.idx.msk [tilespmem:v15+s16+$0x0], $0xffff;
	v15 =	vadd.s32 $0x200, v8;
	v8 =	vadd.s32 $0x800, v8;
	v7 =	vadd.s32 $0xC00, v7  }
0xba: {  	v3 =	vld.idx.msk [tilespmem:v3+s16+$0x0], $0xffff;
	vm2 =	vmand vm0, vm1;
	v14 =	vmul.f32 v14, v4;
	v16 =	vmul.f32 v12, v11  }
0xbb: {  	v2 =	vld.idx.msk [tilespmem:v2+s16+$0x0], $0xffff;
	v22 =	vsub.f32 v22, v5;
	vm4 =	vle.f32 v12, v9;
	v24 =	vmul.f32 v17, v11  }
0xbc: {  	vm0 =	vge.f32 v17, v13;
	vm1 =	vle.f32 v17, v9;
	vm5 =	vge.f32 v12, v13  }
0xbd: {  	vm7 =	vge.f32 v20, v13;
	vm4 =	vmand vm5, vm4;
	vm0 =	vmand vm0, vm1;
	v6 =	vld.idx.msk [tilespmem:v6+s16+$0x0], $0xffff  }
0xbe: {  	v10 =	vmul.f32 v10, v4;
	v16 =	vsub.f32 v16, v5;
	v14 =	vsub.f32 v22, v14  }
0xbf: {  	v12 =	vsub.f32 v24, v5;
	v19 =	vmul.f32 v19, v4;
	v1 =	vld.idx.msk [tilespmem:v1+s16+$0x0], $0xffff;
	v0 =	vmul.f32 v0, v4  }
0xc0: {  	v3 =	vmul.f32 v3, v4;
	v15 =	vld.idx.msk [tilespmem:v15+s16+$0x0], $0xffff;
	v14 =	vnsel vm2, $0x0, v14;
	v23 =	vmul.f32 v2, v11  }
0xc1: {  	v8 =	vld.idx.msk [tilespmem:v8+s16+$0x0], $0xffff;
	vm3 =	vge.f32 v2, v13;
	v14 =	vmul.f32 v14, v14;
	v0 =	vsub.f32 v16, v0  }
0xc2: {  	v22 =	vmul.f32 v6, v11;
	vm6 =	vge.f32 v6, v13;
	vm2 =	vle.f32 v6, v9  }
0xc3: {  	v14 =	vadd.f32 v14, v18;
	vm2 =	vmand vm6, vm2;
	vm6 =	vle.f32 v20, v9  }
0xc4: {  	v20 =	vmul.f32 v20, v11;
	v0 =	vnsel vm4, $0x0, v0;
	vm4 =	vle.f32 v2, v9  }
0xc5: {  	s31 =	simm.s32 $0x10;
	v6 =	vld.idx.msk [tilespmem:v21+s16+$0x0], $0xffff;
	v17 =	vmul.f32 v1, v4;
	v1 =	vmul.f32 v15, v11;
	v21 =	vsub.f32 v22, v5  }
0xc6: {  	s0 =	sand.u32 $0x1F0, s31;
	v7 =	vld.idx.msk [tilespmem:v7+s16+$0x0], $0xffff;
	vm8 =	vge.f32 v15, v13;
	vm5 =	vmand vm7, vm6;
	vm6 =	vge.f32 v8, v13  }
0xc7: {  	v11 =	vmul.f32 v8, v11;
	vm9 =	vle.f32 v8, v9;
	v8 =	vld [tilespmem:s0+$0x14400];
	v13 =	vsub.f32 v20, v5  }
0xc8: {  	vm7 =	vle.f32 v15, v9;
	v9 =	vld [tilespmem:s0+$0x14200];
	vm3 =	vmand vm3, vm4;
	v1 =	vsub.f32 v1, v5  }
0xc9: {  	vm7 =	vmand vm8, vm7;
	vm4 =	vmand vm6, vm9;
	v3 =	vsub.f32 v13, v3  }
0xca: {  	v16 =	vld [tilespmem:s0+$0x13200];
	v12 =	vsub.f32 v12, v17;
	v6 =	vmul.f32 v6, v4;
	v1 =	vsub.f32 v1, v10  }
0xcb: {  	v22 =	vld [tilespmem:s0+$0x13800];
	v10 =	vmul.f32 v0, v0;
	v2 =	vnsel vm5, $0x0, v3;
	v3 =	vmul.f32 v7, v4  }
0xcc: {  	v0 =	vld [tilespmem:s0+$0x13600];
	v13 =	vadd.s32 $0x600, v8;
	v4 =	vmul.f32 v2, v2;
	v2 =	vsub.f32 v23, v5  }
0xcd: {  	v15 =	vadd.s32 $0x200, v9;
	v18 =	vadd.s32 $0x400, v9;
	v7 =	vnsel vm7, $0x0, v1;
	v1 =	vld [tilespmem:s0+$0x13400]  }
0xce: {  	v5 =	vsub.f32 v11, v5;
	v11 =	vadd.s32 $0x200, v8;
	v6 =	vsub.f32 v2, v6;
	v2 =	vld [tilespmem:s0+$0x13A00]  }
0xcf: {  	v20 =	vadd.s32 $0x800, v8;
	v25 =	vadd.s32 $0xA00, v8;
	v17 =	vadd.s32 $0xC00, v9;
	v61 =	vld.idx.msk [tilespmem:v8+s16+$0x0], $0xffff  }
0xd0: {  	v7 =	vmul.f32 v7, v7;
	v3 =	vsub.f32 v21, v3;
	v21 =	vadd.s32 $0x400, v8;
	v26 =	vld.idx.msk [tilespmem:v9+s16+$0x0], $0xffff  }
0xd1: {  	v27 =	vadd.s32 $0xC00, v8;
	v23 =	vadd.s32 $0xA00, v9;
	v5 =	vsub.f32 v5, v19;
	v13 =	vld.idx.msk [tilespmem:v13+s16+$0x0], $0xffff  }
0xd2: {  	v19 =	vadd.s32 $0x800, v9;
	v7 =	vadd.f32 v7, v14;
	v28 =	vnsel vm2, $0x0, v3;
	v18 =	vld.idx.msk [tilespmem:v18+s16+$0x0], $0xffff  }
0xd3: {  	v6 =	vnsel vm3, $0x0, v6;
	v5 =	vnsel vm4, $0x0, v5;
	v14 =	vld.idx.msk [tilespmem:v11+s16+$0x0], $0xffff;
	v11 =	vadd.s32 $0xE00, v9  }
0xd4: {  	v17 =	vld.idx.msk [tilespmem:v17+s16+$0x0], $0xffff;
	v7 =	vadd.f32 v10, v7;
	v5 =	vmul.f32 v5, v5;
	v9 =	vadd.s32 $0x600, v9  }
0xd5: {  	v6 =	vmul.f32 v6, v6;
	v10 =	vld.idx.msk [tilespmem:v21+s16+$0x0], $0xffff;
	v21 =	vadd.s32 $0xE00, v8;
	v8 =	vnsel vm0, $0x0, v12  }
0xd6: {  	v3 =	vld.idx.msk [tilespmem:v23+s16+$0x0], $0xffff;
	v12 =	vmul.f32 v28, v28;
	v7 =	vadd.f32 v4, v7;
	v4 =	vmul.f32 v8, v8  }
0xd7: {  	v8 =	vmul.f32 v26, v16;
	vm0 =	vge.f32 v26, v22;
	vm1 =	vle.f32 v26, v2  }
0xd8: {  	v31 =	vld.idx.msk [tilespmem:v15+s16+$0x0], $0xffff;
	v24 =	vmul.f32 v61, v0;
	vm2 =	vmand vm0, vm1;
	v5 =	vadd.f32 v5, v7  }
0xd9: {  	v29 =	vmul.f32 v18, v16;
	vm4 =	vle.f32 v18, v2;
	vm5 =	vge.f32 v18, v22;
	v18 =	vld.idx.msk [tilespmem:v25+s16+$0x0], $0xffff  }
0xda: {  	v62 =	vsub.f32 v8, v1;
	v8 =	vmul.f32 v13, v0;
	vm6 =	vge.f32 v17, v22;
	v23 =	vld.idx.msk [tilespmem:v11+s16+$0x0], $0xffff  }
0xdb: {  	v63 =	vld.idx.msk [tilespmem:v9+s16+$0x0], $0xffff;
	v13 =	vmul.f32 v14, v0;
	v7 =	vmul.f32 v3, v16;
	vm3 =	vge.f32 v3, v22  }
0xdc: {  	v9 =	vmul.f32 v17, v16;
	v14 =	vld.idx.msk [tilespmem:v20+s16+$0x0], $0xffff;
	v11 =	vadd.f32 v6, v5;
	v6 =	vsub.f32 v62, v24  }
0xdd: {  	v20 =	vmul.f32 v31, v16;
	vm7 =	vmand vm5, vm4;
	v21 =	vld.idx.msk [tilespmem:v21+s16+$0x0], $0xffff;
	v30 =	vmul.f32 v10, v0  }
0xde: {  	v29 =	vsub.f32 v29, v1;
	v10 =	vld.idx.msk [tilespmem:v19+s16+$0x0], $0xffff;
	v15 =	vnsel vm2, $0x0, v6;
	vm2 =	vle.f32 v17, v2  }
0xdf: {  	v9 =	vsub.f32 v9, v1;
	v15 =	vmul.f32 v15, v15;
	vm2 =	vmand vm6, vm2  }
0xe0: {  	vm6 =	vge.f32 v31, v22;
	v5 =	vmul.f32 v23, v16;
	vm0 =	vge.f32 v23, v22  }
0xe1: {  	vm1 =	vle.f32 v23, v2;
	vm8 =	vge.f32 v63, v22;
	v17 =	vmul.f32 v63, v16  }
0xe2: {  	vm9 =	vle.f32 v63, v2;
	v14 =	vmul.f32 v14, v0;
	v6 =	vmul.f32 v21, v0  }
0xe3: {  	v19 =	vsub.f32 v17, v1;
	v17 =	vmul.f32 v10, v16;
	v16 =	vmul.f32 v18, v0;
	v18 =	vld.idx.msk [tilespmem:v27+s16+$0x0], $0xffff  }
0xe4: {  	vm5 =	vmand vm8, vm9;
	vm4 =	vge.f32 v10, v22;
	v21 =	vsub.f32 v20, v1  }
0xe5: {  	s28 =	simm.s32 $0x20;
	vm8 =	vle.f32 v31, v2;
	v20 =	vsub.f32 v29, v30;
	v5 =	vsub.f32 v5, v1  }
.LBB2_7:
0xe6: {  	s0 =	sand.u32 $0x1F0, s28;
	p0 =	sne.s32 s28, $0x1F0;
	s28 =	sadd.s32 $0x10, s28;
	v8 =	vsub.f32 v19, v8;
	vm9 =	vle.f32 v10, v2;
	v10 =	vadd.f32 v12, v11  }
0xe7: {  	v11 =	vld [tilespmem:s0+$0x14400];
	v12 =	vsub.f32 v21, v13;
	v13 =	vnsel vm7, $0x0, v20;
	vm7 =	vle.f32 v3, v2  }
0xe8: {  	vm6 =	vmand vm6, vm8;
	v3 =	vld [tilespmem:s0+$0x14200];
	v2 =	vnsel vm5, $0x0, v8;
	v8 =	vmul.f32 v18, v0  }
0xe9: {  	v4 =	vadd.f32 v4, v10;
	v18 =	vmul.f32 v2, v2;
	v2 =	vsub.f32 v7, v1  }
0xea: {  	vm5 =	vmand vm3, vm7;
	v10 =	vnsel vm6, $0x0, v12;
	v12 =	vmul.f32 v13, v13;
	v7 =	vld [tilespmem:s0+$0x13400]  }
0xeb: {  	vm3 =	vmand vm4, vm9;
	v1 =	vsub.f32 v17, v1;
	v0 =	vld [tilespmem:s0+$0x13600];
	v13 =	vsub.f32 v2, v16  }
0xec: {  	v4 =	vadd.f32 v15, v4;
	v2 =	vld [tilespmem:s0+$0x13A00];
	v16 =	vadd.s32 $0x200, v11;
	v17 =	vadd.s32 $0x600, v11  }
0xed: {  	v10 =	vmul.f32 v10, v10;
	v20 =	vld [tilespmem:s0+$0x13200];
	v15 =	vadd.s32 $0x200, v3;
	v19 =	vadd.s32 $0x400, v3  }
0xee: {  	v8 =	vsub.f32 v9, v8;
	v22 =	vadd.s32 $0x800, v11;
	v23 =	vadd.s32 $0xA00, v3;
	v21 =	vld [tilespmem:s0+$0x13800]  }
0xef: {  	v14 =	vsub.f32 v1, v14;
	v24 =	vadd.s32 $0x400, v11;
	v25 =	vadd.s32 $0xA00, v11;
	v9 =	vld.idx.msk [tilespmem:v11+s16+$0x0], $0xffff;
	v1 =	vmovc v7  }
0xf0: {  	v27 =	vadd.s32 $0xC00, v11;
	v26 =	vadd.s32 $0x800, v3;
	v13 =	vnsel vm5, $0x0, v13;
	v7 =	vld.idx.msk [tilespmem:v3+s16+$0x0], $0xffff  }
0xf1: {  	v5 =	vsub.f32 v5, v6;
	v4 =	vadd.f32 v10, v4;
	v28 =	vadd.s32 $0xE00, v3;
	v16 =	vld.idx.msk [tilespmem:v16+s16+$0x0], $0xffff  }
0xf2: {  	v10 =	vadd.s32 $0xC00, v3;
	v14 =	vnsel vm3, $0x0, v14;
	v6 =	vld.idx.msk [tilespmem:v17+s16+$0x0], $0xffff;
	v17 =	vnsel vm2, $0x0, v8  }
0xf3: {  	vm0 =	vmand vm0, vm1;
	v4 =	vadd.f32 v12, v4;
	v8 =	vmul.f32 v14, v14;
	v19 =	vld.idx.msk [tilespmem:v19+s16+$0x0], $0xffff  }
0xf4: {  	v5 =	vnsel vm0, $0x0, v5;
	v11 =	vadd.s32 $0xE00, v11;
	v14 =	vadd.s32 $0x600, v3;
	v12 =	vld.idx.msk [tilespmem:v24+s16+$0x0], $0xffff  }
0xf5: {  	v13 =	vmul.f32 v13, v13;
	v18 =	vadd.f32 v18, v4;
	v4 =	vmul.f32 v5, v5;
	v3 =	vld.idx.msk [tilespmem:v23+s16+$0x0], $0xffff  }
0xf6: {  	v5 =	vmul.f32 v7, v20;
	vm0 =	vge.f32 v7, v21;
	vm1 =	vle.f32 v7, v2;
	v23 =	vld.idx.msk [tilespmem:v28+s16+$0x0], $0xffff  }
0xf7: {  	v9 =	vmul.f32 v9, v0;
	v7 =	vadd.f32 v8, v18;
	vm2 =	vmand vm0, vm1;
	v24 =	vld.idx.msk [tilespmem:v10+s16+$0x0], $0xffff  }
0xf8: {  	v5 =	vsub.f32 v5, v1;
	v10 =	vld.idx.msk [tilespmem:v26+s16+$0x0], $0xffff  }
0xf9: {  	v8 =	vmul.f32 v6, v0;
	v18 =	vmul.f32 v19, v20;
	vm4 =	vle.f32 v19, v2;
	v6 =	vld.idx.msk [tilespmem:v11+s16+$0x0], $0xffff  }
0xfa: {  	v26 =	vmul.f32 v12, v0;
	v11 =	vadd.f32 v13, v7;
	v12 =	vmul.f32 v17, v17;
	v14 =	vld.idx.msk [tilespmem:v14+s16+$0x0], $0xffff  }
0xfb: {  	v13 =	vmul.f32 v16, v0;
	v7 =	vmul.f32 v3, v20;
	vm3 =	vge.f32 v3, v21;
	v28 =	vld.idx.msk [tilespmem:v15+s16+$0x0], $0xffff  }
0xfc: {  	v29 =	vsub.f32 v18, v1;
	v15 =	vmul.f32 v23, v20;
	vm0 =	vge.f32 v23, v21  }
0xfd: {  	v9 =	vsub.f32 v5, v9;
	vm1 =	vle.f32 v23, v2;
	v17 =	vmul.f32 v24, v20;
	v16 =	vld.idx.msk [tilespmem:v22+s16+$0x0], $0xffff  }
0xfe: {  	vm5 =	vge.f32 v19, v21;
	vm6 =	vge.f32 v24, v21;
	v5 =	vsub.f32 v15, v1;
	v22 =	vld.idx.msk [tilespmem:v25+s16+$0x0], $0xffff  }
0xff: {  	v9 =	vnsel vm2, $0x0, v9;
	vm2 =	vle.f32 v24, v2;
	v6 =	vmul.f32 v6, v0  }
0x100: {  	v15 =	vmul.f32 v9, v9;
	vm2 =	vmand vm6, vm2;
	vm8 =	vge.f32 v14, v21  }
.Ltmp2:
0x101: {  	v9 =	vsub.f32 v17, v1;
	vm9 =	vle.f32 v14, v2;
	v23 =	vmul.f32 v28, v20;
	(pc) =	sbr.rel @p0 .LBB2_7-.Ltmp2, $4  }
0x102: {  	vm7 =	vmand vm5, vm4;
	v17 =	vmul.f32 v14, v20;
	vm6 =	vge.f32 v28, v21;
	v18 =	vld.idx.msk [tilespmem:v27+s16+$0x0], $0xffff  }
0x103: {  	vm4 =	vge.f32 v10, v21;
	vm5 =	vmand vm8, vm9;
	v14 =	vmul.f32 v16, v0  }
0x104: {  	v19 =	vsub.f32 v17, v1;
	v17 =	vmul.f32 v10, v20;
	v16 =	vmul.f32 v22, v0  }
0x105: {  	vm8 =	vle.f32 v28, v2;
	v20 =	vsub.f32 v29, v26;
	v21 =	vsub.f32 v23, v1  }
0x106: {  	p0 =	seq.s32 s25, $0x1F  }
0x107: {  	s0 =	sadd.s32 @!p0 s26, s9  }
0x108: {  	s26 =	sshll.u32 @!p0 s0, $0x9  }
0x109: {  	s0 =	sshll.u32 @!p0 s0, $0x6;
	s26 =	sand.u32 @!p0 $0x1FFFE000, s26  }
0x10a: {  	s28 =	simm.s32 @!p0 $0x0;
	s0 =	sand.u32 @!p0 $0x1FFFFC00, s0;
	s26 =	sadd.s32 @!p0 s3, s26  }
0x10b: {  	[tilespmem:s28], [sflag:$0x1] =	stream.linear.gather @!p0 [hbm4b:s26+s28], $0x8000, $0x38;
	[tilespmem:$0x14680] =	vst v63  }
0x10c: {  	s0 =	sadd.s32 @!p0 s4, s0;
	s26 =	simm.s32 @!p0 $0x10000  }
0x10d: {  	[tilespmem:s26], [sflag:$0x3] =	stream.linear.gather @!p0 [hbm4b:s0+s28], $0x1000, $0x38;
	[tilespmem:$0x14680] =	vst v63  }
0x10e: {  	_ =	swait.ge [sflag:s21], $0x8000  }
0x10f: {  	[sflag:s21] =	ssyncset.done $0x0  }
0x110: {  	v11 =	vadd.f32 v12, v11;
	[sflag:s21] =	ssyncadd.s32 $0xFFFF8000  }
0x111: {  	v12 =	vsub.f32 v21, v13;
	_ =	swait.ge [sflag:s22], $0x1000  }
0x112: {  	v8 =	vsub.f32 v19, v8;
	vm6 =	vmand vm6, vm8;
	v4 =	vadd.f32 v4, v11;
	s28 =	simm.s32 $0x0;
	[sflag:s22] =	ssyncset.done $0x0  }
0x113: {  	vm14 =	vle.f32 v10, v2;
	vm15 =	vle.f32 v3, v2;
	v11 =	vnsel vm6, $0x0, v12;
	s31 =	sand.u32 $0x3F0, s28;
	[sflag:s22] =	ssyncadd.s32 $0xFFFFF000  }
0x114: {  	v10 =	vnsel vm7, $0x0, v20;
	v2 =	vadd.f32 v15, v4;
	v3 =	vmul.f32 v11, v11;
	v4 =	vld [tilespmem:s31+$0x13E00]  }
0x115: {  	v0 =	vmul.f32 v18, v0;
	v8 =	vnsel vm5, $0x0, v8;
	v11 =	vsub.f32 v17, v1  }
0x116: {  	v1 =	vsub.f32 v7, v1;
	v7 =	vmul.f32 v10, v10;
	v2 =	vadd.f32 v3, v2  }
0x117: {  	vm3 =	vmand vm3, vm15;
	v3 =	vmul.f32 v8, v8;
	v8 =	vsub.f32 v11, v14  }
0x118: {  	vm4 =	vmand vm4, vm14;
	v1 =	vsub.f32 v1, v16;
	v2 =	vadd.f32 v7, v2  }
0x119: {  	v7 =	vsub.f32 v9, v0;
	v0 =	vnsel vm4, $0x0, v8;
	v9 =	vadd.s32 $0x8000, v4  }
0x11a: {  	v8 =	vmul.f32 v0, v0;
	v3 =	vadd.f32 v3, v2;
	v0 =	vld [tilespmem:s31+$0x12E00];
	v10 =	vadd.s32 $0xF000, v4  }
0x11b: {  	s26 =	simm.s32 $0x10;
	v1 =	vnsel vm3, $0x0, v1;
	v2 =	vld [tilespmem:s31+$0x12A00];
	v11 =	vadd.s32 $0x9000, v4  }
0x11c: {  	s29 =	sand.u32 $0x3F0, s26;
	v1 =	vmul.f32 v1, v1;
	v3 =	vadd.f32 v8, v3;
	v8 =	vld [tilespmem:s31+$0x12600];
	v12 =	vadd.s32 $0xE000, v4  }
0x11d: {  	v6 =	vsub.f32 v5, v6;
	v7 =	vnsel vm2, $0x0, v7;
	v5 =	vld [tilespmem:s29+$0x13E00];
	v13 =	vadd.s32 $0xA000, v4  }
0x11e: {  	v1 =	vadd.f32 v1, v3;
	v3 =	vmul.f32 v7, v7;
	v7 =	vadd.s32 $0xD000, v4;
	v9 =	vld.idx.msk [tilespmem:v9+s28+$0x0], $0xffff  }
0x11f: {  	v15 =	vadd.s32 $0xB000, v4;
	v14 =	vld.idx.msk [tilespmem:v10+s28+$0x0], $0xffff  }
0x120: {  	vm0 =	vmand vm0, vm1;
	v16 =	vadd.s32 $0xC000, v4;
	v10 =	vld.idx.msk [tilespmem:v11+s28+$0x0], $0xffff  }
0x121: {  	v6 =	vnsel vm0, $0x0, v6;
	v20 =	vld.idx.msk [tilespmem:v12+s28+$0x0], $0xffff  }
0x122: {  	v6 =	vmul.f32 v6, v6;
	v1 =	vadd.f32 v3, v1;
	v13 =	vld.idx.msk [tilespmem:v13+s28+$0x0], $0xffff  }
0x123: {  	v4 =	vadd.s32 $0xE000, v5;
	v3 =	vadd.s32 $0xD000, v5;
	v63 =	vld.idx.msk [tilespmem:v7+s28+$0x0], $0xffff;
	v9 =	vmul.f32 v9, v8  }
0x124: {  	v12 =	vadd.f32 v6, v1;
	v7 =	vadd.s32 $0xF000, v5;
	v6 =	vadd.s32 $0xA000, v5;
	v15 =	vld.idx.msk [tilespmem:v15+s28+$0x0], $0xffff  }
0x125: {  	v1 =	vadd.s32 $0xC000, v5;
	v16 =	vld.idx.msk [tilespmem:v16+s28+$0x0], $0xffff;
	v18 =	vmul.f32 v10, v8;
	v17 =	vsub.f32 v9, v2  }
0x126: {  	v10 =	vadd.s32 $0x8000, v5;
	v11 =	vmul.f32 v14, v8;
	v9 =	vadd.s32 $0x9000, v5  }
0x127: {  	v14 =	vand.u32 $0x7FFFFFFF, v17;
	v17 =	vsub.f32 v18, v2;
	v18 =	vmul.f32 v13, v8  }
0x128: {  	s30 =	simm.s32 $0x20;
	v13 =	vmul.f32 v20, v8;
	v19 =	vsub.f32 v14, v0;
	v14 =	vmul.f32 v63, v8  }
.LBB2_9:
0x129: {  	p0 =	sne.s32 s30, $0x3F0;
	v17 =	vand.u32 $0x7FFFFFFF, v17;
	v18 =	vsub.f32 v18, v2;
	v15 =	vmul.f32 v15, v8  }
0x12a: {  	v8 =	vmul.f32 v16, v8;
	v19 =	vmax.f32 v19, $0.0e+00;
	v17 =	vsub.f32 v17, v0  }
0x12b: {  	v16 =	vmul.f32 v19, v19;
	v18 =	vand.u32 $0x7FFFFFFF, v18;
	v15 =	vsub.f32 v15, v2  }
0x12c: {  	v8 =	vsub.f32 v8, v2;
	v17 =	vmax.f32 v17, $0.0e+00;
	v18 =	vsub.f32 v18, v0  }
0x12d: {  	v12 =	vadd.f32 v16, v12;
	v16 =	vmul.f32 v17, v17;
	v15 =	vand.u32 $0x7FFFFFFF, v15  }
0x12e: {  	v14 =	vsub.f32 v14, v2;
	v17 =	vmax.f32 v18, $0.0e+00;
	v15 =	vsub.f32 v15, v0  }
0x12f: {  	v8 =	vand.u32 $0x7FFFFFFF, v8;
	v18 =	vld [tilespmem:s29+$0x12E00];
	v12 =	vadd.f32 v16, v12;
	v16 =	vmul.f32 v17, v17  }
0x130: {  	v13 =	vsub.f32 v13, v2;
	v19 =	vsub.f32 v8, v0;
	v17 =	vld [tilespmem:s29+$0x12A00];
	v15 =	vmax.f32 v15, $0.0e+00  }
0x131: {  	v14 =	vand.u32 $0x7FFFFFFF, v14;
	v8 =	vld [tilespmem:s29+$0x12600];
	s29 =	sand.u32 $0x3F0, s30;
	v12 =	vadd.f32 v16, v12;
	v15 =	vmul.f32 v15, v15  }
0x132: {  	v20 =	vsub.f32 v11, v2;
	v14 =	vsub.f32 v14, v0;
	v19 =	vmax.f32 v19, $0.0e+00;
	v16 =	vld [tilespmem:s29+$0x13E00]  }
0x133: {  	v13 =	vand.u32 $0x7FFFFFFF, v13;
	v10 =	vld.idx.msk [tilespmem:v10+s28+$0x0], $0xffff;
	v11 =	vadd.f32 v15, v12;
	v12 =	vmul.f32 v19, v19  }
0x134: {  	v15 =	vadd.s32 $0xB000, v5;
	v5 =	vmax.f32 v14, $0.0e+00;
	v19 =	vld.idx.msk [tilespmem:v7+s28+$0x0], $0xffff;
	v7 =	vsub.f32 v13, v0  }
0x135: {  	v21 =	vmul.f32 v5, v5;
	v9 =	vld.idx.msk [tilespmem:v9+s28+$0x0], $0xffff;
	v11 =	vadd.f32 v12, v11;
	v12 =	vand.u32 $0x7FFFFFFF, v20;
	v2 =	vmovc v17  }
0x136: {  	v13 =	vld.idx.msk [tilespmem:v4+s28+$0x0], $0xffff;
	v4 =	vmax.f32 v7, $0.0e+00;
	v12 =	vsub.f32 v12, v0;
	v0 =	vmov v18  }
0x137: {  	v14 =	vld.idx.msk [tilespmem:v6+s28+$0x0], $0xffff;
	v6 =	vadd.f32 v21, v11;
	v11 =	vmul.f32 v4, v4;
	v5 =	vmov v16  }
0x138: {  	v4 =	vadd.s32 $0xE000, v5;
	v7 =	vadd.s32 $0xF000, v5;
	v20 =	vld.idx.msk [tilespmem:v3+s28+$0x0], $0xffff;
	v3 =	vmax.f32 v12, $0.0e+00  }
0x139: {  	v10 =	vmul.f32 v10, v8;
	v15 =	vld.idx.msk [tilespmem:v15+s28+$0x0], $0xffff;
	v11 =	vadd.f32 v11, v6;
	v12 =	vmul.f32 v3, v3  }
.Ltmp3:
0x13a: {  	v6 =	vadd.s32 $0xA000, v5;
	v3 =	vadd.s32 $0xD000, v5;
	v16 =	vld.idx.msk [tilespmem:v1+s28+$0x0], $0xffff;
	v1 =	vadd.s32 $0xC000, v5;
	(pc) =	sbr.rel @p0 .LBB2_9-.Ltmp3, $4  }
0x13b: {  	v17 =	vsub.f32 v10, v2;
	v18 =	vmul.f32 v9, v8;
	v12 =	vadd.f32 v12, v11  }
0x13c: {  	v10 =	vadd.s32 $0x8000, v5;
	v9 =	vadd.s32 $0x9000, v5;
	v11 =	vmul.f32 v19, v8  }
0x13d: {  	v19 =	vand.u32 $0x7FFFFFFF, v17;
	v17 =	vsub.f32 v18, v2;
	v18 =	vmul.f32 v14, v8  }
0x13e: {  	s30 =	sadd.s32 $0x10, s30;
	v13 =	vmul.f32 v13, v8;
	v19 =	vsub.f32 v19, v0;
	v14 =	vmul.f32 v20, v8  }
0x13f: {  	v17 =	vand.u32 $0x7FFFFFFF, v17  }
0x140: {  	v18 =	vsub.f32 v18, v2;
	v15 =	vmul.f32 v15, v8;
	v8 =	vmul.f32 v16, v8  }
0x141: {  	v5 =	vadd.s32 $0xB000, v5;
	v19 =	vmax.f32 v19, $0.0e+00;
	v17 =	vsub.f32 v17, v0  }
0x142: {  	v16 =	vmul.f32 v19, v19;
	v18 =	vand.u32 $0x7FFFFFFF, v18;
	v15 =	vsub.f32 v15, v2  }
0x143: {  	v8 =	vsub.f32 v8, v2;
	v17 =	vmax.f32 v17, $0.0e+00;
	v18 =	vsub.f32 v18, v0  }
0x144: {  	v12 =	vadd.f32 v16, v12;
	v16 =	vmul.f32 v17, v17;
	v15 =	vand.u32 $0x7FFFFFFF, v15  }
0x145: {  	v10 =	vld.idx.msk [tilespmem:v10+s28+$0x0], $0xffff;
	v14 =	vsub.f32 v14, v2;
	v17 =	vmax.f32 v18, $0.0e+00;
	v15 =	vsub.f32 v15, v0  }
0x146: {  	v7 =	vld.idx.msk [tilespmem:v7+s28+$0x0], $0xffff;
	v8 =	vand.u32 $0x7FFFFFFF, v8;
	v12 =	vadd.f32 v16, v12;
	v16 =	vmul.f32 v17, v17  }
0x147: {  	v9 =	vld.idx.msk [tilespmem:v9+s28+$0x0], $0xffff;
	v13 =	vsub.f32 v13, v2;
	v8 =	vsub.f32 v8, v0;
	v15 =	vmax.f32 v15, $0.0e+00  }
0x148: {  	v3 =	vld.idx.msk [tilespmem:v3+s28+$0x0], $0xffff;
	v14 =	vand.u32 $0x7FFFFFFF, v14;
	v12 =	vadd.f32 v16, v12;
	v15 =	vmul.f32 v15, v15  }
0x149: {  	v1 =	vld.idx.msk [tilespmem:v1+s28+$0x0], $0xffff;
	v2 =	vsub.f32 v11, v2;
	v14 =	vsub.f32 v14, v0;
	v8 =	vmax.f32 v8, $0.0e+00  }
0x14a: {  	v16 =	vld [tilespmem:s29+$0x12600];
	v8 =	vmul.f32 v8, v8;
	v11 =	vadd.f32 v15, v12;
	v12 =	vand.u32 $0x7FFFFFFF, v13  }
0x14b: {  	v18 =	vld [tilespmem:s29+$0x12A00];
	v13 =	vmax.f32 v14, $0.0e+00;
	v12 =	vsub.f32 v12, v0  }
0x14c: {  	v2 =	vand.u32 $0x7FFFFFFF, v2;
	v5 =	vld.idx.msk [tilespmem:v5+s28+$0x0], $0xffff;
	v8 =	vadd.f32 v8, v11;
	v11 =	vmul.f32 v13, v13  }
0x14d: {  	v0 =	vsub.f32 v2, v0;
	v2 =	vld.idx.msk [tilespmem:v6+s28+$0x0], $0xffff;
	v12 =	vmax.f32 v12, $0.0e+00  }
0x14e: {  	v4 =	vld.idx.msk [tilespmem:v4+s28+$0x0], $0xffff;
	v6 =	vadd.f32 v11, v8;
	v8 =	vmul.f32 v12, v12  }
0x14f: {  	v17 =	vld [tilespmem:s29+$0x12E00];
	v0 =	vmax.f32 v0, $0.0e+00;
	v10 =	vmul.f32 v10, v16  }
0x150: {  	v9 =	vmul.f32 v9, v16;
	v0 =	vmul.f32 v0, v0;
	v6 =	vadd.f32 v8, v6  }
0x151: {  	v3 =	vmul.f32 v3, v16;
	v5 =	vmul.f32 v5, v16;
	v8 =	vsub.f32 v10, v18  }
0x152: {  	v1 =	vmul.f32 v1, v16;
	v2 =	vmul.f32 v2, v16;
	v0 =	vadd.f32 v0, v6  }
0x153: {  	v6 =	vmul.f32 v7, v16;
	v7 =	vand.u32 $0x7FFFFFFF, v8;
	v8 =	vsub.f32 v9, v18  }
0x154: {  	v4 =	vmul.f32 v4, v16;
	v5 =	vsub.f32 v5, v18;
	v7 =	vsub.f32 v7, v17  }
0x155: {  	v1 =	vsub.f32 v1, v18;
	v2 =	vsub.f32 v2, v18;
	v8 =	vand.u32 $0x7FFFFFFF, v8  }
0x156: {  	v3 =	vsub.f32 v3, v18;
	v7 =	vmax.f32 v7, $0.0e+00;
	v8 =	vsub.f32 v8, v17  }
0x157: {  	v4 =	vsub.f32 v4, v18;
	v2 =	vand.u32 $0x7FFFFFFF, v2;
	v7 =	vmul.f32 v7, v7  }
0x158: {  	s0 =	simm.s32 $0x13C00;
	v5 =	vand.u32 $0x7FFFFFFF, v5;
	v2 =	vsub.f32 v2, v17;
	v8 =	vmax.f32 v8, $0.0e+00  }
0x159: {  	v1 =	vand.u32 $0x7FFFFFFF, v1;
	v0 =	vadd.f32 v7, v0;
	v7 =	vmul.f32 v8, v8;
	v8 =	vld [tilespmem:s0+$0x0]  }
0x15a: {  	v3 =	vand.u32 $0x7FFFFFFF, v3;
	v5 =	vsub.f32 v5, v17;
	v2 =	vmax.f32 v2, $0.0e+00  }
0x15b: {  	v1 =	vsub.f32 v1, v17;
	v2 =	vmul.f32 v2, v2;
	v0 =	vadd.f32 v7, v0  }
0x15c: {  	v4 =	vand.u32 $0x7FFFFFFF, v4;
	v3 =	vsub.f32 v3, v17  }
0x15d: {  	v5 =	vmax.f32 v5, $0.0e+00;
	v1 =	vmax.f32 v1, $0.0e+00;
	v0 =	vadd.f32 v2, v0  }
0x15e: {  	s31 =	sand.u32 $0x1F0, s28;
	s28 =	simm.s32 $0x12000;
	v2 =	vmul.f32 v5, v5;
	v5 =	vsub.f32 v6, v18;
	v6 =	vadd.s32 $0x1000, v8  }
0x15f: {  	v4 =	vsub.f32 v4, v17;
	v9 =	vld [tilespmem:s28+$0x0];
	v1 =	vmul.f32 v1, v1;
	v7 =	vadd.s32 $0x1E00, v8  }
0x160: {  	s29 =	simm.s32 $0x13C10;
	v10 =	vadd.s32 $0x1200, v8;
	v2 =	vadd.f32 v2, v0;
	v0 =	vld [tilespmem:s31+$0x12400];
	v5 =	vand.u32 $0x7FFFFFFF, v5  }
0x161: {  	v3 =	vmax.f32 v3, $0.0e+00;
	v13 =	vadd.s32 $0x1400, v8;
	v12 =	vsub.f32 v5, v17;
	v5 =	vld [tilespmem:s29+$0x0]  }
0x162: {  	v3 =	vmul.f32 v3, v3;
	v11 =	vadd.s32 $0x1C00, v8;
	v1 =	vadd.f32 v1, v2;
	v2 =	vld [tilespmem:s31+$0x12200]  }
0x163: {  	v4 =	vmax.f32 v4, $0.0e+00;
	v14 =	vadd.s32 $0x1600, v8;
	v6 =	vld.idx.msk [tilespmem:v6+s16+$0x0], $0xffff  }
0x164: {  	v1 =	vadd.f32 v3, v1;
	v3 =	vmul.f32 v4, v4;
	v4 =	vadd.s32 $0x1A00, v8;
	v15 =	vld.idx.msk [tilespmem:v7+s16+$0x0], $0xffff  }
0x165: {  	v18 =	vadd.s32 $0x1800, v8;
	v12 =	vmax.f32 v12, $0.0e+00;
	v10 =	vld.idx.msk [tilespmem:v10+s16+$0x0], $0xffff  }
0x166: {  	v13 =	vld.idx.msk [tilespmem:v13+s16+$0x0], $0xffff;
	v1 =	vadd.f32 v3, v1;
	v3 =	vmul.f32 v12, v12  }
0x167: {  	v17 =	vld.idx.msk [tilespmem:v11+s16+$0x0], $0xffff  }
0x168: {  	v20 =	vld.idx.msk [tilespmem:v14+s16+$0x0], $0xffff;
	v7 =	vadd.s32 $0x1E00, v5;
	v12 =	vadd.f32 v3, v1;
	v8 =	vmul.f32 v6, v9  }
0x169: {  	v3 =	vadd.s32 $0x1C00, v5;
	v1 =	vadd.s32 $0x1800, v5;
	v19 =	vld.idx.msk [tilespmem:v4+s16+$0x0], $0xffff;
	v6 =	vadd.s32 $0x1400, v5  }
0x16a: {  	v16 =	vmul.f32 v10, v9;
	v11 =	vmul.f32 v15, v9;
	v15 =	vld.idx.msk [tilespmem:v18+s16+$0x0], $0xffff;
	v14 =	vsub.f32 v8, v2  }
0x16b: {  	v4 =	vadd.s32 $0x1A00, v5;
	v10 =	vadd.s32 $0x1000, v5;
	v22 =	vmul.f32 v13, v9  }
0x16c: {  	v13 =	vmul.f32 v17, v9;
	v21 =	vsub.f32 v16, v2;
	v14 =	vand.u32 $0x7FFFFFFF, v14  }
0x16d: {  	v18 =	vmul.f32 v20, v9;
	v8 =	vadd.s32 $0x1200, v5;
	v16 =	vsub.f32 v14, v0  }
0x16e: {  	s30 =	simm.s32 $0x20;
	v17 =	vsub.f32 v22, v2;
	v14 =	vmul.f32 v19, v9;
	v19 =	vand.u32 $0x7FFFFFFF, v21  }
.LBB2_11:
0x16f: {  	p0 =	sne.s32 s30, $0x1F0;
	v16 =	vmax.f32 v16, $0.0e+00;
	v19 =	vsub.f32 v19, v0;
	v9 =	vmul.f32 v15, v9  }
0x170: {  	v15 =	vmul.f32 v16, v16;
	v16 =	vand.u32 $0x7FFFFFFF, v17;
	v17 =	vsub.f32 v18, v2  }
0x171: {  	v18 =	vmax.f32 v19, $0.0e+00;
	v16 =	vsub.f32 v16, v0;
	v9 =	vsub.f32 v9, v2  }
0x172: {  	v12 =	vadd.f32 v15, v12;
	v15 =	vmul.f32 v18, v18;
	v17 =	vand.u32 $0x7FFFFFFF, v17  }
0x173: {  	s0 =	sand.u32 $0x1F0, s26;
	v14 =	vsub.f32 v14, v2;
	s26 =	smov.u32 s30;
	v16 =	vmax.f32 v16, $0.0e+00;
	v17 =	vsub.f32 v17, v0  }
0x174: {  	v9 =	vand.u32 $0x7FFFFFFF, v9;
	v18 =	vld [tilespmem:s0+$0x12400];
	v12 =	vadd.f32 v15, v12;
	v15 =	vmul.f32 v16, v16  }
0x175: {  	v13 =	vsub.f32 v13, v2;
	s28 =	sadd.s32 $0x10, s28;
	v19 =	vsub.f32 v9, v0;
	v16 =	vld [tilespmem:s0+$0x12200];
	v17 =	vmax.f32 v17, $0.0e+00  }
0x176: {  	s29 =	sadd.s32 $0x10, s29;
	v14 =	vand.u32 $0x7FFFFFFF, v14;
	v9 =	vld [tilespmem:s28+$0x0];
	v12 =	vadd.f32 v15, v12;
	v15 =	vmul.f32 v17, v17  }
0x177: {  	v20 =	vsub.f32 v11, v2;
	v14 =	vsub.f32 v14, v0;
	v19 =	vmax.f32 v19, $0.0e+00;
	v17 =	vld [tilespmem:s29+$0x0]  }
0x178: {  	v13 =	vand.u32 $0x7FFFFFFF, v13;
	v10 =	vld.idx.msk [tilespmem:v10+s16+$0x0], $0xffff;
	v11 =	vadd.f32 v15, v12;
	v12 =	vmul.f32 v19, v19  }
0x179: {  	v15 =	vadd.s32 $0x1600, v5;
	v5 =	vmax.f32 v14, $0.0e+00;
	v19 =	vld.idx.msk [tilespmem:v7+s16+$0x0], $0xffff;
	v7 =	vsub.f32 v13, v0  }
0x17a: {  	v21 =	vmul.f32 v5, v5;
	v8 =	vld.idx.msk [tilespmem:v8+s16+$0x0], $0xffff;
	v11 =	vadd.f32 v12, v11;
	v12 =	vand.u32 $0x7FFFFFFF, v20;
	v2 =	vmovc v16  }
0x17b: {  	v13 =	vld.idx.msk [tilespmem:v3+s16+$0x0], $0xffff;
	v3 =	vmax.f32 v7, $0.0e+00;
	v12 =	vsub.f32 v12, v0;
	v0 =	vmov v18  }
0x17c: {  	v14 =	vld.idx.msk [tilespmem:v6+s16+$0x0], $0xffff;
	v6 =	vadd.f32 v21, v11;
	v11 =	vmul.f32 v3, v3;
	v5 =	vmov v17  }
0x17d: {  	v3 =	vadd.s32 $0x1C00, v5;
	v7 =	vadd.s32 $0x1E00, v5;
	v17 =	vld.idx.msk [tilespmem:v4+s16+$0x0], $0xffff;
	v4 =	vmax.f32 v12, $0.0e+00  }
0x17e: {  	v10 =	vmul.f32 v10, v9;
	v18 =	vld.idx.msk [tilespmem:v15+s16+$0x0], $0xffff;
	v11 =	vadd.f32 v11, v6;
	v12 =	vmul.f32 v4, v4  }
0x17f: {  	v6 =	vadd.s32 $0x1400, v5;
	v4 =	vadd.s32 $0x1A00, v5;
	v15 =	vld.idx.msk [tilespmem:v1+s16+$0x0], $0xffff;
	v1 =	vadd.s32 $0x1800, v5  }
.Ltmp4:
0x180: {  	v16 =	vsub.f32 v10, v2;
	v20 =	vmul.f32 v8, v9;
	v12 =	vadd.f32 v12, v11;
	(pc) =	sbr.rel @p0 .LBB2_11-.Ltmp4, $4  }
0x181: {  	v10 =	vadd.s32 $0x1000, v5;
	v8 =	vadd.s32 $0x1200, v5;
	v11 =	vmul.f32 v19, v9  }
0x182: {  	v16 =	vand.u32 $0x7FFFFFFF, v16;
	v19 =	vsub.f32 v20, v2;
	v20 =	vmul.f32 v14, v9  }
0x183: {  	v13 =	vmul.f32 v13, v9;
	v16 =	vsub.f32 v16, v0;
	v14 =	vmul.f32 v17, v9  }
0x184: {  	s30 =	sadd.s32 $0x10, s30;
	v19 =	vand.u32 $0x7FFFFFFF, v19;
	v17 =	vsub.f32 v20, v2;
	v18 =	vmul.f32 v18, v9  }
0x185: {  	v16 =	vmax.f32 v16, $0.0e+00  }
0x186: {  	v19 =	vsub.f32 v19, v0;
	v9 =	vmul.f32 v15, v9;
	v14 =	vsub.f32 v14, v2  }
0x187: {  	v15 =	vmul.f32 v16, v16;
	v16 =	vand.u32 $0x7FFFFFFF, v17;
	v17 =	vsub.f32 v18, v2  }
0x188: {  	v13 =	vsub.f32 v13, v2;
	v18 =	vmax.f32 v19, $0.0e+00;
	v16 =	vsub.f32 v16, v0  }
0x189: {  	v12 =	vadd.f32 v15, v12;
	v15 =	vmul.f32 v18, v18;
	v17 =	vand.u32 $0x7FFFFFFF, v17  }
0x18a: {  	v10 =	vld.idx.msk [tilespmem:v10+s16+$0x0], $0xffff;
	v9 =	vsub.f32 v9, v2;
	v16 =	vmax.f32 v16, $0.0e+00;
	v17 =	vsub.f32 v17, v0  }
0x18b: {  	v5 =	vadd.s32 $0x1600, v5;
	v8 =	vld.idx.msk [tilespmem:v8+s16+$0x0], $0xffff;
	v12 =	vadd.f32 v15, v12;
	v15 =	vmul.f32 v16, v16  }
0x18c: {  	v3 =	vld.idx.msk [tilespmem:v3+s16+$0x0], $0xffff;
	v14 =	vand.u32 $0x7FFFFFFF, v14;
	v9 =	vand.u32 $0x7FFFFFFF, v9;
	v17 =	vmax.f32 v17, $0.0e+00  }
0x18d: {  	s30 =	sadd.s32 $0x10, s28;
	v1 =	vld.idx.msk [tilespmem:v1+s16+$0x0], $0xffff;
	v9 =	vsub.f32 v9, v0;
	v12 =	vadd.f32 v15, v12;
	v15 =	vmul.f32 v17, v17  }
0x18e: {  	s0 =	sand.u32 $0x1F0, s26;
	v2 =	vsub.f32 v11, v2;
	v14 =	vsub.f32 v14, v0;
	v17 =	vld [tilespmem:s30+$0x0]  }
0x18f: {  	v18 =	vld [tilespmem:s0+$0x12200];
	v9 =	vmax.f32 v9, $0.0e+00;
	v11 =	vadd.f32 v15, v12;
	v12 =	vand.u32 $0x7FFFFFFF, v13  }
0x190: {  	v2 =	vand.u32 $0x7FFFFFFF, v2;
	v5 =	vld.idx.msk [tilespmem:v5+s16+$0x0], $0xffff;
	v9 =	vmul.f32 v9, v9;
	v12 =	vsub.f32 v12, v0  }
0x191: {  	v7 =	vld.idx.msk [tilespmem:v7+s16+$0x0], $0xffff;
	v13 =	vmax.f32 v14, $0.0e+00;
	v0 =	vsub.f32 v2, v0  }
0x192: {  	v2 =	vld.idx.msk [tilespmem:v6+s16+$0x0], $0xffff;
	v9 =	vadd.f32 v9, v11;
	v11 =	vmul.f32 v13, v13;
	v12 =	vmax.f32 v12, $0.0e+00  }
0x193: {  	v4 =	vld.idx.msk [tilespmem:v4+s16+$0x0], $0xffff;
	v0 =	vmax.f32 v0, $0.0e+00;
	v10 =	vmul.f32 v10, v17;
	v8 =	vmul.f32 v8, v17  }
0x194: {  	v16 =	vld [tilespmem:s0+$0x12400];
	v3 =	vmul.f32 v3, v17;
	v6 =	vadd.f32 v11, v9;
	v9 =	vmul.f32 v12, v12  }
0x195: {  	s31 =	simm.s32 $0x0;
	v5 =	vmul.f32 v5, v17;
	v1 =	vmul.f32 v1, v17;
	v8 =	vsub.f32 v8, v18  }
0x196: {  	s0 =	sand.u32 $0x1F0, s31;
	v0 =	vmul.f32 v0, v0;
	v6 =	vadd.f32 v9, v6;
	v9 =	vsub.f32 v10, v18  }
0x197: {  	v5 =	vsub.f32 v5, v18;
	v1 =	vsub.f32 v1, v18;
	v2 =	vmul.f32 v2, v17;
	v10 =	vld [tilespmem:s0+$0x14400]  }
0x198: {  	v0 =	vadd.f32 v0, v6;
	v6 =	vmul.f32 v7, v17;
	v7 =	vand.u32 $0x7FFFFFFF, v9  }
0x199: {  	v4 =	vmul.f32 v4, v17;
	v3 =	vsub.f32 v3, v18;
	v7 =	vsub.f32 v7, v16  }
0x19a: {  	v8 =	vand.u32 $0x7FFFFFFF, v8;
	v5 =	vand.u32 $0x7FFFFFFF, v5;
	v2 =	vsub.f32 v2, v18  }
0x19b: {  	v8 =	vsub.f32 v8, v16;
	v5 =	vsub.f32 v5, v16;
	v7 =	vmax.f32 v7, $0.0e+00  }
0x19c: {  	v2 =	vand.u32 $0x7FFFFFFF, v2;
	v9 =	vadd.s32 $0x1000, v10;
	v7 =	vmul.f32 v7, v7  }
0x19d: {  	v8 =	vmax.f32 v8, $0.0e+00;
	v2 =	vsub.f32 v2, v16;
	v11 =	vadd.s32 $0x1A00, v10  }
0x19e: {  	v17 =	vadd.s32 $0x1C00, v10;
	v0 =	vadd.f32 v7, v0;
	v7 =	vmul.f32 v8, v8;
	v8 =	vld [tilespmem:s0+$0x14200]  }
0x19f: {  	v4 =	vsub.f32 v4, v18;
	v1 =	vand.u32 $0x7FFFFFFF, v1;
	v15 =	vand.u32 $0x7FFFFFFF, v3  }
0x1a0: {  	v3 =	vld [tilespmem:s0+$0x13800];
	v15 =	vsub.f32 v15, v16;
	v5 =	vmax.f32 v5, $0.0e+00;
	v2 =	vmax.f32 v2, $0.0e+00  }
0x1a1: {  	v6 =	vsub.f32 v6, v18;
	v2 =	vmul.f32 v2, v2;
	v0 =	vadd.f32 v7, v0;
	v18 =	vld.idx.msk [tilespmem:v9+s16+$0x0], $0xffff  }
0x1a2: {  	v1 =	vsub.f32 v1, v16;
	v5 =	vmul.f32 v5, v5;
	v19 =	vld.idx.msk [tilespmem:v11+s16+$0x0], $0xffff;
	v11 =	vmax.f32 v15, $0.0e+00  }
0x1a3: {  	v21 =	vld.idx.msk [tilespmem:v17+s16+$0x0], $0xffff;
	v7 =	vadd.f32 v2, v0;
	v2 =	vand.u32 $0x7FFFFFFF, v4;
	v13 =	vadd.s32 $0x1800, v8  }
0x1a4: {  	v0 =	vld [tilespmem:s0+$0x13400];
	v4 =	vmax.f32 v1, $0.0e+00;
	v12 =	vsub.f32 v2, v16;
	v14 =	vadd.s32 $0x1C00, v8  }
0x1a5: {  	v1 =	vld [tilespmem:s0+$0x13A00];
	v4 =	vmul.f32 v4, v4;
	v15 =	vadd.s32 $0x1600, v8;
	v7 =	vadd.f32 v5, v7  }
0x1a6: {  	v6 =	vand.u32 $0x7FFFFFFF, v6;
	v2 =	vld [tilespmem:s0+$0x13200];
	v23 =	vadd.s32 $0x1000, v8;
	v12 =	vmax.f32 v12, $0.0e+00  }
0x1a7: {  	v5 =	vld [tilespmem:s0+$0x13600];
	v4 =	vadd.f32 v4, v7;
	v7 =	vadd.s32 $0x1200, v10;
	v9 =	vmul.f32 v12, v12  }
0x1a8: {  	v6 =	vsub.f32 v6, v16;
	v16 =	vadd.s32 $0x1200, v8;
	v13 =	vld.idx.msk [tilespmem:v13+s16+$0x0], $0xffff  }
0x1a9: {  	v12 =	vadd.s32 $0x1800, v10;
	v4 =	vadd.f32 v9, v4;
	v9 =	vmul.f32 v11, v11;
	v20 =	vld.idx.msk [tilespmem:v14+s16+$0x0], $0xffff  }
0x1aa: {  	v6 =	vmax.f32 v6, $0.0e+00;
	v17 =	vadd.s32 $0x1A00, v8;
	v26 =	vld.idx.msk [tilespmem:v15+s16+$0x0], $0xffff  }
0x1ab: {  	v6 =	vmul.f32 v6, v6;
	v14 =	vadd.s32 $0x1400, v8;
	v15 =	vld.idx.msk [tilespmem:v23+s16+$0x0], $0xffff;
	v4 =	vadd.f32 v9, v4  }
0x1ac: {  	v25 =	vadd.s32 $0x1400, v10;
	v27 =	vadd.s32 $0x1600, v10;
	v11 =	vmul.f32 v18, v5;
	v22 =	vld.idx.msk [tilespmem:v7+s16+$0x0], $0xffff  }
0x1ad: {  	v7 =	vadd.s32 $0x1E00, v8;
	v9 =	vadd.f32 v6, v4;
	v4 =	vmul.f32 v19, v5;
	v19 =	vld.idx.msk [tilespmem:v16+s16+$0x0], $0xffff  }
0x1ae: {  	v24 =	vld.idx.msk [tilespmem:v12+s16+$0x0], $0xffff;
	v8 =	vadd.s32 $0x1E00, v10;
	vm0 =	vge.f32 v13, v3;
	v12 =	vmul.f32 v13, v2  }
0x1af: {  	v6 =	vld.idx.msk [tilespmem:v17+s16+$0x0], $0xffff;
	vm1 =	vle.f32 v13, v1;
	vm2 =	vge.f32 v20, v3;
	v10 =	vmul.f32 v20, v2  }
0x1b0: {  	v14 =	vld.idx.msk [tilespmem:v14+s16+$0x0], $0xffff;
	v18 =	vmul.f32 v26, v2;
	vm1 =	vmand vm0, vm1;
	vm0 =	vle.f32 v20, v1  }
0x1b1: {  	v63 =	vld.idx.msk [tilespmem:v25+s16+$0x0], $0xffff;
	v23 =	vmul.f32 v15, v2;
	vm0 =	vmand vm2, vm0;
	vm2 =	vle.f32 v26, v1  }
0x1b2: {  	v16 =	vsub.f32 v10, v0;
	v22 =	vmul.f32 v22, v5;
	v20 =	vmul.f32 v19, v2  }
0x1b3: {  	vm3 =	vle.f32 v19, v1;
	vm4 =	vge.f32 v19, v3;
	v19 =	vmul.f32 v21, v5;
	v21 =	vld.idx.msk [tilespmem:v27+s16+$0x0], $0xffff  }
0x1b4: {  	v13 =	vmul.f32 v24, v5;
	v10 =	vmul.f32 v6, v2;
	v20 =	vsub.f32 v20, v0  }
0x1b5: {  	v17 =	vmul.f32 v14, v2;
	vm5 =	vmand vm4, vm3;
	vm4 =	vge.f32 v14, v3  }
0x1b6: {  	s26 =	simm.s32 $0x10;
	v8 =	vld.idx.msk [tilespmem:v8+s16+$0x0], $0xffff;
	vm3 =	vge.f32 v26, v3;
	v22 =	vsub.f32 v20, v22;
	v20 =	vmul.f32 v63, v5  }
.LBB2_13:
0x1b7: {  	s0 =	sand.u32 $0x1F0, s26;
	p0 =	sne.s32 s26, $0x1F0;
	s26 =	sadd.s32 $0x10, s26;
	vm6 =	vle.f32 v15, v1;
	vm7 =	vle.f32 v14, v1;
	v14 =	vsub.f32 v18, v0  }
0x1b8: {  	v21 =	vmul.f32 v21, v5;
	v12 =	vsub.f32 v12, v0;
	v18 =	vld [tilespmem:s0+$0x14400];
	v22 =	vnsel vm5, $0x0, v22  }
0x1b9: {  	v16 =	vsub.f32 v16, v19;
	v23 =	vsub.f32 v23, v0;
	vm4 =	vmand vm4, vm7;
	v24 =	vld [tilespmem:s0+$0x14200]  }
0x1ba: {  	vm5 =	vge.f32 v15, v3;
	v14 =	vsub.f32 v14, v21;
	v12 =	vsub.f32 v12, v13  }
0x1bb: {  	vm2 =	vmand vm3, vm2;
	v13 =	vsub.f32 v17, v0;
	v11 =	vsub.f32 v23, v11  }
0x1bc: {  	vm3 =	vmand vm5, vm6;
	v14 =	vnsel vm2, $0x0, v14;
	v12 =	vnsel vm1, $0x0, v12  }
0x1bd: {  	v13 =	vsub.f32 v13, v20;
	v15 =	vadd.s32 $0x1000, v18;
	v17 =	vadd.s32 $0x1400, v18;
	v19 =	vld.idx.msk [tilespmem:v7+s16+$0x0], $0xffff  }
0x1be: {  	v23 =	vadd.s32 $0x1200, v18;
	v7 =	vadd.s32 $0x1A00, v18;
	v20 =	vld [tilespmem:s0+$0x13400];
	v21 =	vadd.s32 $0x1000, v24  }
0x1bf: {  	v13 =	vnsel vm4, $0x0, v13;
	v26 =	vadd.s32 $0x1400, v24;
	v27 =	vadd.s32 $0x1800, v24;
	v25 =	vld [tilespmem:s0+$0x13A00]  }
0x1c0: {  	v11 =	vnsel vm3, $0x0, v11;
	v29 =	vadd.s32 $0x1800, v18;
	v30 =	vadd.s32 $0x1A00, v24;
	v28 =	vld [tilespmem:s0+$0x13200]  }
0x1c1: {  	v11 =	vmul.f32 v11, v11;
	v32 =	vadd.s32 $0x1600, v24;
	v33 =	vadd.s32 $0x1C00, v24;
	v31 =	vld [tilespmem:s0+$0x13600]  }
0x1c2: {  	v5 =	vmul.f32 v8, v5;
	v16 =	vnsel vm0, $0x0, v16;
	v35 =	vadd.s32 $0x1C00, v18;
	v34 =	vld [tilespmem:s0+$0x13800]  }
0x1c3: {  	v9 =	vadd.f32 v11, v9;
	v11 =	vmul.f32 v22, v22;
	v8 =	vld.idx.msk [tilespmem:v15+s16+$0x0], $0xffff;
	v15 =	vadd.s32 $0x1200, v24  }
0x1c4: {  	vm1 =	vge.f32 v6, v3;
	vm2 =	vle.f32 v6, v1;
	v22 =	vld.idx.msk [tilespmem:v7+s16+$0x0], $0xffff;
	v7 =	vadd.s32 $0x1E00, v24  }
0x1c5: {  	v10 =	vsub.f32 v10, v0;
	v6 =	vadd.f32 v11, v9;
	v9 =	vmul.f32 v13, v13;
	v24 =	vld.idx.msk [tilespmem:v27+s16+$0x0], $0xffff  }
0x1c6: {  	v11 =	vmul.f32 v19, v2;
	vm0 =	vge.f32 v19, v3;
	vm3 =	vle.f32 v19, v1;
	v27 =	vld.idx.msk [tilespmem:v33+s16+$0x0], $0xffff  }
0x1c7: {  	v3 =	vadd.f32 v9, v6;
	v9 =	vmul.f32 v14, v14;
	vm0 =	vmand vm0, vm3;
	v1 =	vmovc v25;
	v19 =	vld.idx.msk [tilespmem:v35+s16+$0x0], $0xffff  }
0x1c8: {  	v10 =	vsub.f32 v10, v4;
	v14 =	vsub.f32 v11, v0;
	v0 =	vmovc v20;
	v13 =	vld.idx.msk [tilespmem:v23+s16+$0x0], $0xffff;
	v23 =	vadd.s32 $0x1E00, v18  }
0x1c9: {  	vm1 =	vmand vm1, vm2;
	v3 =	vadd.f32 v9, v3;
	v9 =	vmul.f32 v12, v12;
	v2 =	vmovc v28;
	v6 =	vld.idx.msk [tilespmem:v30+s16+$0x0], $0xffff  }
0x1ca: {  	v11 =	vmul.f32 v8, v31;
	v4 =	vmul.f32 v22, v31;
	v22 =	vsub.f32 v14, v5;
	v20 =	vld.idx.msk [tilespmem:v29+s16+$0x0], $0xffff  }
0x1cb: {  	v16 =	vmul.f32 v16, v16;
	v9 =	vadd.f32 v9, v3;
	vm2 =	vge.f32 v24, v34;
	v25 =	vld.idx.msk [tilespmem:v32+s16+$0x0], $0xffff  }
0x1cc: {  	v8 =	vnsel vm1, $0x0, v10;
	v5 =	vmovc v31;
	v12 =	vmul.f32 v24, v2;
	vm3 =	vle.f32 v24, v1;
	v28 =	vld.idx.msk [tilespmem:v15+s16+$0x0], $0xffff  }
0x1cd: {  	v10 =	vadd.s32 $0x1600, v18;
	v18 =	vmul.f32 v8, v8;
	v3 =	vmovc v34;
	vm1 =	vmand vm2, vm3;
	v14 =	vld.idx.msk [tilespmem:v26+s16+$0x0], $0xffff  }
0x1ce: {  	vm2 =	vle.f32 v27, v1;
	v24 =	vmul.f32 v13, v5;
	v13 =	vnsel vm0, $0x0, v22;
	v8 =	vld.idx.msk [tilespmem:v23+s16+$0x0], $0xffff  }
0x1cf: {  	v9 =	vadd.f32 v18, v9;
	vm0 =	vge.f32 v27, v3;
	v22 =	vmul.f32 v13, v13;
	v15 =	vld.idx.msk [tilespmem:v21+s16+$0x0], $0xffff  }
0x1d0: {  	vm0 =	vmand vm0, vm2;
	v13 =	vmul.f32 v20, v5;
	v26 =	vld.idx.msk [tilespmem:v17+s16+$0x0], $0xffff;
	v17 =	vmul.f32 v27, v2  }
0x1d1: {  	v9 =	vadd.f32 v16, v9;
	v18 =	vmul.f32 v25, v2;
	vm2 =	vle.f32 v25, v1  }
.Ltmp5:
0x1d2: {  	v20 =	vmul.f32 v28, v2;
	vm3 =	vle.f32 v28, v1;
	v21 =	vld.idx.msk [tilespmem:v10+s16+$0x0], $0xffff;
	v16 =	vsub.f32 v17, v0;
	(pc) =	sbr.rel @p0 .LBB2_13-.Ltmp5, $4  }
0x1d3: {  	vm4 =	vge.f32 v28, v3;
	v17 =	vmul.f32 v14, v2;
	v10 =	vmul.f32 v6, v2  }
0x1d4: {  	v19 =	vmul.f32 v19, v5;
	vm5 =	vmand vm4, vm3;
	v20 =	vsub.f32 v20, v0  }
0x1d5: {  	v9 =	vadd.f32 v22, v9;
	vm4 =	vge.f32 v14, v3;
	vm3 =	vge.f32 v25, v3  }
0x1d6: {  	v23 =	vmul.f32 v15, v2;
	v22 =	vsub.f32 v20, v24;
	v20 =	vmul.f32 v26, v5  }
0x1d7: {  	_ = 	snop  }
0x1d8: {  	v23 =	vsub.f32 v23, v0;
	_ =	sdelay $0x1  }
0x1d9: {  	vm6 =	vle.f32 v15, v1;
	vm7 =	vge.f32 v15, v3;
	v11 =	vsub.f32 v23, v11  }
0x1da: {  	vm11 =	vle.f32 v14, v1;
	vm6 =	vmand vm7, vm6  }
0x1db: {  	v52 =	vsub.f32 v18, v0;
	v53 =	vsub.f32 v17, v0;
	v11 =	vnsel vm6, $0x0, v11  }
0x1dc: {  	v55 =	vmul.f32 v21, v5;
	v12 =	vsub.f32 v12, v0;
	v11 =	vmul.f32 v11, v11  }
0x1dd: {  	v16 =	vsub.f32 v16, v19;
	v54 =	vnsel vm5, $0x0, v22;
	v15 =	vsub.f32 v53, v20  }
0x1de: {  	v7 =	vld.idx.msk [tilespmem:v7+s16+$0x0], $0xffff;
	vm4 =	vmand vm4, vm11;
	v9 =	vadd.f32 v11, v9;
	v11 =	vmul.f32 v54, v54  }
0x1df: {  	vm2 =	vmand vm3, vm2;
	v14 =	vsub.f32 v52, v55;
	v56 =	vnsel vm4, $0x0, v15  }
0x1e0: {  	v10 =	vsub.f32 v10, v0;
	v9 =	vadd.f32 v11, v9;
	v11 =	vmul.f32 v56, v56  }
0x1e1: {  	vm12 =	vge.f32 v6, v3;
	v12 =	vsub.f32 v12, v13;
	v57 =	vnsel vm2, $0x0, v14  }
0x1e2: {  	vm13 =	vle.f32 v6, v1;
	v9 =	vadd.f32 v11, v9;
	v11 =	vmul.f32 v57, v57  }
0x1e3: {  	v4 =	vsub.f32 v10, v4;
	v12 =	vnsel vm1, $0x0, v12;
	v2 =	vmul.f32 v7, v2  }
0x1e4: {  	vm1 =	vmand vm12, vm13;
	v58 =	vadd.f32 v11, v9;
	v9 =	vmul.f32 v12, v12  }
0x1e5: {  	v59 =	vmul.f32 v8, v5;
	v61 =	vnsel vm1, $0x0, v4;
	v60 =	vsub.f32 v2, v0  }
0x1e6: {  	s25 =	sadd.s32 $0x1, s25;
	v62 =	vnsel vm0, $0x0, v16;
	v2 =	vmul.f32 v61, v61;
	v6 =	vadd.f32 v9, v58  }
0x1e7: {  	p0 =	sne.s32 s25, $0x20;
	vm14 =	vge.f32 v7, v3;
	vm15 =	vle.f32 v7, v1;
	v0 =	vsub.f32 v60, v59  }
.Ltmp6:
0x1e8: {  	v63 =	vmul.f32 v62, v62;
	vm0 =	vmand vm14, vm15;
	v2 =	vadd.f32 v2, v6;
	(pc) =	sbr.rel @p0 .LBB2_2-.Ltmp6, $3  }
0x1e9: {  	v0 =	vnsel vm0, $0x0, v0  }
0x1ea: {  	v0 =	vmul.f32 v0, v0;
	v1 =	vadd.f32 v63, v2;
	_ =	sdelay $0x1  }
0x1eb: {  	v10 =	vadd.f32 v0, v1  }
0x1ec: {  	s24 =	sadd.s32 $0x1, s24  }
0x1ed: {  	p0 =	sne.s32 s24, s11  }
.Ltmp7:
0x1ee: {  	[tilespmem:$0x14600] =	vst v10;
	(pc) =	sbr.rel @p0 .LBB2_1-.Ltmp7, $4  }
0x1ef: {  	[hbm4b:s10+s2] =	stream.linear.scatter [tilespmem:s23], [sflag:$0x5], $0x10, $0x38;
	[tilespmem:$0x14680] =	vst v63  }
0x1f0: {  	_ =	swait.ge [sflag:s14], $0x10  }
0x1f1: {  	[sflag:s14] =	ssyncset.done $0x0  }
0x1f2: {  	[sflag:s14] =	ssyncadd.s32 $0xFFFFFFF0  }
0x1f3: {  	_ =	sfence.sel $0x180000  }
0x1f4: {  	[bflag:$0x0] =	sbarrier.arrive $0xFFFF  }
0x1f5: {  	_ =	strace $0x9000004D  }
0x1f6: {  	[bflag:$0x2] =	sbarrier.arrive $0xFFFF  }
0x1f7: {  	p0 =	sne.s32 s1, $0x0;
	s0 =	rddreg [dreg:$0x1]  }
0x1f8: {  	s0 =	sadd.s32 @!p0 $0x100000, s0  }
0x1f9: {  	[sflag:s0] =	ssyncadd.tile.s32 @!p0 $0x1;
	_ =	shalt  }
.Lfunc_end2:
_tile_overlayer_lowered:
.L_overlay_start_2:
0x1fa: {  	(tag) =	ssettag $0x2  }
0x1fb: {  	s0 =	rddreg [dreg:$0x0];
	s2 =	stileid.u32  }
0x1fc: {  	s1 =	rddreg [dreg:$0x1];
	p0 =	sne.s32 s2, $0x0  }
0x1fd: {  	s3 =	rddreg [dreg:$0x2];
	[bflag:$0x3] =	sbarrier.arrive $0xFFFF;
	s2 =	simm.s32 @!p0 $0x1C05  }
0x1fe: {  	[timem:s3], [sflag:s2] =	dma.local @!p0 [hbm:s0], s1  }
0x1ff: {  	s0 =	simm.s32 @!p0 $0x5  }
0x200: {  	_ =	swait.ge @!p0 [sflag:s0], s1  }
0x201: {  	s1 =	ssub.s32 @!p0 $0x0, s1;
	[sflag:s0] =	ssyncset.done @!p0 $0x0  }
0x202: {  	[sflag:s0] =	ssyncadd.s32 @!p0 s1  }
0x203: {  	[bflag:$0x3] =	sbarrier.arrive $0xFFFF  }
0x204: {  	_ =	shalt  }

// kernel: sparse-core-data-format-call.1.cloned.1.call-start
scs
called_computation.1_lowered:
.L_overlay_start_0:
0x0: {  	s2 =	sld [smem:$0x3FD9]  }
0x1: {  	s3 =	sld [smem:$0x3FFE];
	_ =	sdelay $0x1  }
0x2: {  	s1 =	srdreg.scid  }
0x3: {  	s0 =	sand.u32 $0x1, s1  }
0x4: {  	s18 =	sshll.u32 s0, $0xA;
	s2 =	sadd.s32 s3, s2  }
0x5: {  	s2 =	sadd.s32 s2, s18  }
0x6: {  	[smem:$0x3FB7] =	sst s2  }
0x7: {  	_ = 	snop  }
0x8: {  	s19 =	sld [smem:$0x3FC8];
	(tm) =	ssettm $0x1  }
0x9: {  	s20 =	sld [smem:$0x3FFB];
	_ =	sdelay $0x3  }
0xa: {  	_ =	strace s20  }
0xb: {  	s2 =	sld [smem:$0x3FFC];
	_ =	sdelay $0x3  }
0xc: {  	_ =	strace s2  }
0xd: {  	s2 =	sld [smem:$0x3FFD];
	_ =	sdelay $0x3  }
0xe: {  	_ =	strace s2  }
0xf: {  	_ =	strace $0x8FFFFFFF  }
0x10: {  	s21 =	sld [smem:$0x3FDB];
	_ =	sdelay $0x1  }
0x11: {  	s4 =	simm.s32 $_scs_section_size  }
0x12: {  	s5 =	simm.s32 $_size__tile_overlayer_lowered;
	s6 =	simm.s32 $_tile_overlayer_lowered  }
0x13: {  	s7 =	simm.s32 $0x1BFF;
	s22 =	sshll.u32 s6, $0x1;
	s4 =	sadd.s32 s4, s21  }
0x14: {  	s23 =	simm.s32 $0x0;
	s5 =	sshll.u32 s5, $0x1;
	s6 =	sadd.s32 s22, s4  }
0x15: {  	[timem:s23], [sflag:s7] =	dma.local [hbm:s6], s5  }
0x16: {  	_ =	swait.ge [sflag:s7], s5  }
0x17: {  	s5 =	ssub.s32 $0x0, s5;
	[sflag:s7] =	ssyncset.done $0x0  }
0x18: {  	[sflag:s7] =	ssyncadd.s32 s5;
	_ =	sdelay $0x1  }
0x19: {  	s24 =	simm.s32 $0x1B8B  }
0x1a: {  	_ =	swait.ge [sflag:s24], $0x1  }
0x1b: {  	[sflag:s24] =	ssyncset.done $0x0  }
0x1c: {  	[sflag:s24] =	ssyncadd.s32 $0xFFFFFFFF  }
0x1d: {  	s5 =	sld [smem:$0x0]  }
0x1e: {  	s6 =	sand.u32 $0xFFFFFFFE, s1  }
0x1f: {  	p0 =	sne.s32 s1, s6  }
0x20: {  	s6 =	sshll.u32 @p0 s6, $0xE  }
0x21: {  	s6 =	sadd.s32 @p0 $0x11B8D, s6;
	s7 =	sshll.u32 @p0 s5, $0x11  }
0x22: {  	s6 =	sor.u32 @p0 s7, s6  }
0x23: {  	[sflag:s6] =	ssyncadd.remote.s32 @p0 $0x1;
	_ =	sdelay $0x1  }
0x24: {  	s6 =	simm.s32 @p0 $0x1B8D  }
0x25: {  	_ =	swait.eq @p0 [sflag:s6], $0x1  }
0x26: {  	[sflag:s6] =	ssyncadd.s32 @p0 $0xFFFFFFFF  }
0x27: {  	s7 =	sshll.u32 @!p0 s1, $0xE  }
0x28: {  	s7 =	sor.u32 @!p0 $0x4000, s7;
	s6 =	simm.s32 @!p0 $0x1B8D  }
0x29: {  	s5 =	sshll.u32 @!p0 s5, $0x11;
	s7 =	sadd.s32 @!p0 $0x11B8D, s7;
	_ =	swait.eq @!p0 [sflag:s6], $0x1  }
0x2a: {  	s5 =	sor.u32 @!p0 s5, s7;
	[sflag:s6] =	ssyncadd.s32 @!p0 $0xFFFFFFFF  }
0x2b: {  	s26 =	simm.s32 $0x1B8E;
	s25 =	sld [smem:$0x3FFE];
	[sflag:s5] =	ssyncadd.remote.s32 @!p0 $0x1  }
0x2c: {  	s27 =	simm.s32 $execute0_lowered;
	[smem:$0x3FD2] =	sst s26  }
0x2d: {  	s6 =	sshll.u32 s27, $0x1;
	_ =	strace $0x80000049;
	[dreg:$0x1] =	wrdreg $0xFFFFFFFF  }
0x2e: {  	s28 =	simm.s32 $_size_execute0_lowered;
	s4 =	sadd.s32 s4, s6;
	[dreg:$0x0] =	wrdreg $0x0  }
0x2f: {  	s6 =	sshll.u32 s28, $0x1;
	[dreg:$0x2] =	wrdreg s4  }
0x30: {  	[dreg:$0x3] =	wrdreg s6  }
0x31: {  	[dreg:$0x4] =	wrdreg $0xC0  }
0x32: {  	_ =	task [dreg:s23], $0x5FFFF  }
0x33: {  	[dreg:$0x1] =	wrdreg $0xFFFFFFFF  }
0x34: {  	[dreg:$0x0] =	wrdreg $0x60  }
0x35: {  	[dreg:$0x2] =	wrdreg s19  }
0x36: {  	[dreg:$0x3] =	wrdreg s25  }
0x37: {  	[dreg:$0x4] =	wrdreg $0xA  }
0x38: {  	_ =	task.clear_ibuf [dreg:s23], $0x5FFFF;
	_ =	strace $0x90000049  }
0x39: {  	s29 =	simm.s32 $0xA;
	_ =	strace $0x8000004B  }
0x3a: {  	_ =	swait.ge [sflag:s29], $0x1  }
0x3b: {  	[sflag:s29] =	ssyncadd.s32 $0xFFFFFFFF  }
0x3c: {  	_ =	strace $0x9000004B  }
0x3d: {  	_ =	sfence  }
0x3e: {  	s30 =	sld [smem:$0x0];
	_ =	sdelay $0x2  }
0x3f: {  	s31 =	sshll.u32 s1, $0xD;
	s1 =	sshrl.u32 s1, $0x2  }
0x40: {  	s4 =	sand.u32 $0x4000, s31;
	s1 =	sadd.s32 s1, s30  }
0x41: {  	s0 =	sor.u32 s4, s0;
	s1 =	sshll.u32 s1, $0x11  }
0x42: {  	s0 =	sor.u32 s1, s0  }
0x43: {  	s0 =	sadd.s32 $0x8F2B, s0  }
0x44: {  	[sflag:s0] =	ssyncadd.remote.s32 $0x1  }
0x45: {  	_ =	sfence.sel $0xFFFF  }
0x46: {  	[dreg:$0x0] =	wrdreg $0xFFFFFFFF;
	(pc) =	sbr.abs _section_cstart, $3  }
0x47: {  	[dreg:$0x1] =	wrdreg $0xFFFFFFFF  }
0x48: {  	_ =	task.clear_ibuf [dreg:s23], $0x2FFFF;
	_ =	strace $0x9FFFFFFF  }
0x49: {  	(tm) =	ssettm $0x7FFFFFFF  }
tec
execute0_lowered:
.L_overlay_start_1:
0x0: {  	(tag) =	ssettag $0x1  }
0x1: {  	s2 =	rddreg [dreg:$0x0]  }
0x2: {  	s1 =	rddreg [dreg:$0x1]  }
0x3: {  	s0 =	rddreg [dreg:$0x2];
	_ =	strace $0x8000004A;
	s4 =	srdreg.scid  }
0x4: {  	s6 =	simm.s32 $0x2;
	s11 =	simm.s32 $0x0;
	p0 =	por $0x0, $0x0  }
.Ltmp0:
0x5: {  	s7 =	simm.s32 $0x1000;
	s12 =	simm.s32 $0x0;
	(pc) =	sbr.rel .LBB1_1-.Ltmp0, $4  }
0x6: {  	s9 =	simm.s32 $0x0;
	s3 =	sadd.s32 $0x102800, s1;
	s5 =	sshll.u32 s4, $0x4  }
0x7: {  	s1 =	stileid.u32;
	s4 =	simm.s32 $0x1;
	s5 =	sand.u32 $0x10, s5  }
0x8: {  	s8 =	simm.s32 $0x0;
	[sflag:s4] =	ssyncpa.u1 $0x0;
	s5 =	sor.u32 s1, s5  }
0x9: {  	[sflag:s6] =	ssyncpa.u1 $0x0;
	s6 =	simm.s32 $0x800;
	s10 =	smov.u32 s5  }
.LBB1_7:
0xa: {  	s13 =	sadd.s32 $0x10, s9  }
0xb: {  	s11 =	sadd.s32 $0x20, s10;
	s15 =	smov.u32 s10;
	p2 =	sgt.s32 s13, $0x1F  }
0xc: {  	p1 =	slt.u32 s8, $0x2;
	s15 =	smov.u32 @p2 s11  }
0xd: {  	s8 =	sadd.s32 $0x1, s8;
	s13 =	simm.s32 @p2 $0x0;
	p2 =	sgt.s32 s15, $0x7FF  }
0xe: {  	s15 =	smov.u32 @p2 s5;
	p2 =	sne.s32 s8, $0x82  }
.Ltmp1:
0xf: {  	_ = 	snop;
	(pc) =	sbr.rel @!p2 .LBB1_8-.Ltmp1, $4  }
0x10: {  	s14 =	simm.s32 @!p1 $0x2  }
0x11: {  	s12 =	smov.u32 s10;
	_ =	swait.ge @!p1 [sflag:s14], $0x4000  }
0x12: {  	p0 =	por !p0, !p0;
	s11 =	smov.u32 s9;
	[sflag:s14] =	ssyncset.done @!p1 $0x0  }
0x13: {  	s9 =	smov.u32 s13;
	[sflag:s14] =	ssyncadd.s32 @!p1 $0xFFFFC000;
	s10 =	smov.u32 s15  }
.LBB1_1:
0x14: {  	p1 =	sgt.u32 s8, $0x7F  }
0x15: {  	s13 =	sxor.u32 @!p1 $0xFFFFFFFF, s8;
	s14 =	sshll.u32 @!p1 s10, $0xC  }
0x16: {  	s15 =	sshll.u32 @!p1 s9, $0x7;
	s13 =	sshll.u32 @!p1 s13, $0xE;
	s14 =	sadd.s32 @!p1 s2, s14  }
0x17: {  	s13 =	sand.u32 @!p1 $0x4000, s13;
	s14 =	sadd.s32 @!p1 s15, s14;
	s15 =	simm.s32 @!p1 $0x0  }
0x18: {  	[tilespmem:s13], [sflag:$0x1] =	stream.linear.gather @!p1 [hbm4b:s14+s15], $0x4000, $0x38;
	[tilespmem:$0x10000] =	vst v63  }
0x19: {  	p1 =	seq.s32 s8, $0x0  }
0x1a: {  	p2 =	seq.s32 @!p1 s8, $0x81  }
0x1b: {  	p1 =	por p1, p2  }
.Ltmp2:
0x1c: {  	_ = 	snop;
	(pc) =	sbr.rel @p1 .LBB1_7-.Ltmp2, $1  }
0x1d: {  	_ =	sdelay $0x3  }
0x1e: {  	s13 =	simm.s32 $0x1;
	_ =	swait.ge [sflag:s4], $0x4000;
	s16 =	sshll.u32 s8, $0xE  }
0x1f: {  	s13 =	simm.s32 @!p0 $0x0;
	[sflag:s4] =	ssyncset.done $0x0;
	s31 =	sand.u32 $0x4000, s16  }
0x20: {  	s16 =	simm.s32 $0x0;
	s14 =	sshll.u32 s13, $0xE;
	[sflag:s4] =	ssyncadd.s32 $0xFFFFC000  }
0x21: {  	s13 =	sor.u32 $0x8040, s14;
	s15 =	sor.u32 $0x40, s14;
	s14 =	sor.u32 $0x8000, s31  }
.LBB1_3:
0x22: {  	v0 =	vmov s15;
	_ =	sdelay $0x3  }
0x23: {  	s18 =	simm.s32 $0x0  }
0x24: {  	v6 =	vld.idx.msk [tilespmem:v0+s18+$0x30 ss:$0x1], $0xffff  }
0x25: {  	v7 =	vld.idx.msk [tilespmem:v0+s18+$0xFFFFFFC0 ss:$0x1], $0xffff  }
0x26: {  	v5 =	vld.idx.msk [tilespmem:v0+s18+$0xFFFFFFD0 ss:$0x1], $0xffff  }
0x27: {  	v4 =	vld.idx.msk [tilespmem:v0+s18+$0xFFFFFFE0 ss:$0x1], $0xffff  }
0x28: {  	v3 =	vld.idx.msk [tilespmem:v0+s18+$0xFFFFFFF0 ss:$0x1], $0xffff  }
0x29: {  	v1 =	vld.idx.msk [tilespmem:v0+s18+$0x0 ss:$0x1], $0xffff  }
0x2a: {  	v2 =	vld.idx.msk [tilespmem:v0+s18+$0x10 ss:$0x1], $0xffff;
	[tilespmem:s13+$0x30] =	vst v6  }
0x2b: {  	s17 =	simm.s32 $0x80;
	s19 =	simm.s32 $0x400;
	[tilespmem:s13+$0xFFFFFFC0] =	vst v7;
	v6 =	vld.idx.msk [tilespmem:v0+s18+$0x20 ss:$0x1], $0xffff;
	s18 =	smov.u32 s13  }
.LBB1_4:
0x2c: {  	p1 =	sne.s32 s19, $0xE00;
	v7 =	vld.idx.msk [tilespmem:v0+s17+$0x30 ss:$0x1], $0xffff;
	[tilespmem:s18+$0xFFFFFFD0] =	vst v5  }
0x2d: {  	v8 =	vld.idx.msk [tilespmem:v0+s17+$0xFFFFFFC0 ss:$0x1], $0xffff;
	[tilespmem:s18+$0xFFFFFFE0] =	vst v4  }
0x2e: {  	v5 =	vld.idx.msk [tilespmem:v0+s17+$0xFFFFFFD0 ss:$0x1], $0xffff;
	[tilespmem:s18+$0xFFFFFFF0] =	vst v3  }
.Ltmp3:
0x2f: {  	v4 =	vld.idx.msk [tilespmem:v0+s17+$0xFFFFFFE0 ss:$0x1], $0xffff;
	[tilespmem:s18+$0x0] =	vst v1;
	(pc) =	sbr.rel @p1 .LBB1_4-.Ltmp3, $4  }
0x30: {  	v3 =	vld.idx.msk [tilespmem:v0+s17+$0xFFFFFFF0 ss:$0x1], $0xffff;
	[tilespmem:s18+$0x10] =	vst v2  }
0x31: {  	v1 =	vld.idx.msk [tilespmem:v0+s17+$0x0 ss:$0x1], $0xffff;
	[tilespmem:s18+$0x20] =	vst v6;
	s18 =	sadd.s32 $0x800, s18  }
0x32: {  	v2 =	vld.idx.msk [tilespmem:v0+s17+$0x10 ss:$0x1], $0xffff;
	[tilespmem:s18+$0x30] =	vst v7  }
0x33: {  	[tilespmem:s18+$0xFFFFFFC0] =	vst v8;
	v6 =	vld.idx.msk [tilespmem:v0+s17+$0x20 ss:$0x1], $0xffff;
	s17 =	sshra.s32 s19, $0x2;
	s19 =	sadd.s32 $0x200, s19  }
0x34: {  	_ =	sdelay $0x2  }
0x35: {  	[tilespmem:s18+$0xFFFFFFD0] =	vst v5  }
0x36: {  	v56 =	vld.idx.msk [tilespmem:v0+s17+$0x30 ss:$0x1], $0xffff;
	[tilespmem:s18+$0xFFFFFFE0] =	vst v4  }
0x37: {  	v57 =	vld.idx.msk [tilespmem:v0+s17+$0xFFFFFFC0 ss:$0x1], $0xffff;
	[tilespmem:s18+$0xFFFFFFF0] =	vst v3  }
0x38: {  	v58 =	vld.idx.msk [tilespmem:v0+s17+$0xFFFFFFD0 ss:$0x1], $0xffff;
	[tilespmem:s18+$0x0] =	vst v1  }
0x39: {  	v59 =	vld.idx.msk [tilespmem:v0+s17+$0xFFFFFFE0 ss:$0x1], $0xffff;
	[tilespmem:s18+$0x10] =	vst v2  }
0x3a: {  	v60 =	vld.idx.msk [tilespmem:v0+s17+$0xFFFFFFF0 ss:$0x1], $0xffff;
	s31 =	sadd.s32 $0x800, s18;
	[tilespmem:s18+$0x20] =	vst v6  }
0x3b: {  	v61 =	vld.idx.msk [tilespmem:v0+s17+$0x0 ss:$0x1], $0xffff;
	[tilespmem:s31+$0x30] =	vst v56  }
0x3c: {  	v62 =	vld.idx.msk [tilespmem:v0+s17+$0x10 ss:$0x1], $0xffff;
	s16 =	sadd.s32 $0x1, s16;
	[tilespmem:s31+$0xFFFFFFC0] =	vst v57  }
0x3d: {  	v63 =	vld.idx.msk [tilespmem:v0+s17+$0x20 ss:$0x1], $0xffff;
	p1 =	sne.s32 s16, $0x10;
	[tilespmem:s31+$0xFFFFFFD0] =	vst v58  }
.Ltmp4:
0x3e: {  	[tilespmem:s31+$0xFFFFFFE0] =	vst v59;
	(pc) =	sbr.rel @p1 .LBB1_3-.Ltmp4, $4  }
0x3f: {  	[tilespmem:s31+$0xFFFFFFF0] =	vst v60  }
0x40: {  	[tilespmem:s31+$0x0] =	vst v61  }
0x41: {  	[tilespmem:s31+$0x10] =	vst v62  }
0x42: {  	s13 =	sadd.s32 $0x80, s13;
	s15 =	sadd.s32 $0x400, s15;
	[tilespmem:s31+$0x20] =	vst v63  }
.Ltmp5:
0x43: {  	(pc) =	sbr.rel .LBB1_7-.Ltmp5, $4  }
0x44: {  	s12 =	sshll.u32 s12, $0xC;
	s11 =	sshll.u32 s11, $0x4  }
0x45: {  	s11 =	sand.u32 $0x1F0, s11;
	s12 =	sadd.s32 s3, s12  }
0x46: {  	s11 =	sadd.s32 s11, s12  }
0x47: {  	[hbm4b:s11+s6] =	stream.strided.scatter [tilespmem:s14], [sflag:$0x2], $0x4000, s7, s6, $0x38;
	[tilespmem:$0x10000] =	vst v63  }
.LBB1_8:
0x48: {  	_ =	sfence.sel $0x180000  }
0x49: {  	s2 =	simm.s32 $0x1;
	[bflag:$0x0] =	sbarrier.arrive $0xFFFF  }
0x4a: {  	s31 =	simm.s32 $0x2;
	[sflag:s2] =	ssyncpa.u1 $0x1  }
0x4b: {  	[sflag:s31] =	ssyncpa.u1 $0x1  }
0x4c: {  	p0 =	sne.s32 s1, $0x0;
	_ =	strace $0x9000004A  }
0x4d: {  	s0 =	sadd.s32 @!p0 $0x100000, s0;
	[bflag:$0x2] =	sbarrier.arrive $0xFFFF  }
0x4e: {  	[sflag:s0] =	ssyncadd.tile.s32 @!p0 $0x1;
	_ =	shalt  }
.Lfunc_end1:
_tile_overlayer_lowered:
.L_overlay_start_2:
0x4f: {  	(tag) =	ssettag $0x2  }
0x50: {  	s0 =	rddreg [dreg:$0x0];
	s2 =	stileid.u32  }
0x51: {  	s1 =	rddreg [dreg:$0x1];
	p0 =	sne.s32 s2, $0x0  }
0x52: {  	s3 =	rddreg [dreg:$0x2];
	[bflag:$0x3] =	sbarrier.arrive $0xFFFF;
	s2 =	simm.s32 @!p0 $0x1C01  }
0x53: {  	[timem:s3], [sflag:s2] =	dma.local @!p0 [hbm:s0], s1  }
0x54: {  	s0 =	simm.s32 @!p0 $0x1  }
0x55: {  	_ =	swait.ge @!p0 [sflag:s0], s1  }
0x56: {  	s1 =	ssub.s32 @!p0 $0x0, s1;
	[sflag:s0] =	ssyncset.done @!p0 $0x0  }
0x57: {  	[sflag:s0] =	ssyncadd.s32 @!p0 s1  }
0x58: {  	[bflag:$0x3] =	sbarrier.arrive $0xFFFF  }
0x59: {  	_ =	shalt  }

// kernel: sparse-core-data-format-call.cloned.1.call-start
scs
called_computation_lowered:
.L_overlay_start_0:
0x0: {  	s2 =	sld [smem:$0x3FD9]  }
0x1: {  	s3 =	sld [smem:$0x3FFE];
	_ =	sdelay $0x1  }
0x2: {  	s1 =	srdreg.scid  }
0x3: {  	s0 =	sand.u32 $0x1, s1  }
0x4: {  	s18 =	sshll.u32 s0, $0xA;
	s2 =	sadd.s32 s3, s2  }
0x5: {  	s2 =	sadd.s32 s2, s18  }
0x6: {  	[smem:$0x3FB7] =	sst s2  }
0x7: {  	_ = 	snop  }
0x8: {  	s2 =	sld [smem:$0x3FC9];
	(tm) =	ssettm $0x1  }
0x9: {  	s19 =	sld [smem:$0x3FFB];
	_ =	sdelay $0x3  }
0xa: {  	_ =	strace s19  }
0xb: {  	s3 =	sld [smem:$0x3FFC];
	_ =	sdelay $0x3  }
0xc: {  	_ =	strace s3  }
0xd: {  	s3 =	sld [smem:$0x3FFD];
	_ =	sdelay $0x3  }
0xe: {  	_ =	strace s3  }
0xf: {  	_ =	strace $0x8FFFFFFF  }
0x10: {  	s20 =	sld [smem:$0x3FDB];
	_ =	sdelay $0x1  }
0x11: {  	s4 =	simm.s32 $_scs_section_size  }
0x12: {  	s5 =	simm.s32 $_size__tile_overlayer_lowered;
	s6 =	simm.s32 $_tile_overlayer_lowered  }
0x13: {  	s23 =	simm.s32 $0x1BFF;
	s22 =	sshll.u32 s6, $0x1;
	s3 =	sadd.s32 s4, s20  }
0x14: {  	s7 =	simm.s32 $0x0;
	s21 =	sshll.u32 s5, $0x1;
	s5 =	sadd.s32 s22, s3  }
0x15: {  	[timem:s7], [sflag:s23] =	dma.local [hbm:s5], s21  }
0x16: {  	_ =	swait.ge [sflag:s23], s21  }
0x17: {  	s4 =	ssub.s32 $0x0, s21;
	[sflag:s23] =	ssyncset.done $0x0  }
0x18: {  	[sflag:s23] =	ssyncadd.s32 s4;
	_ =	sdelay $0x1  }
0x19: {  	s24 =	simm.s32 $0x1B8B  }
0x1a: {  	_ =	swait.ge [sflag:s24], $0x1  }
0x1b: {  	[sflag:s24] =	ssyncset.done $0x0  }
0x1c: {  	s26 =	simm.s32 $0x1B8E;
	s25 =	sld [smem:$0x3FFE];
	[sflag:s24] =	ssyncadd.s32 $0xFFFFFFFF  }
0x1d: {  	s27 =	simm.s32 $execute0_lowered;
	[smem:$0x3FD2] =	sst s26  }
0x1e: {  	s5 =	sshll.u32 s27, $0x1;
	_ =	strace $0x80000046;
	[dreg:$0x1] =	wrdreg $0xFFFFFFFF  }
0x1f: {  	s28 =	simm.s32 $_size_execute0_lowered;
	s3 =	sadd.s32 s3, s5;
	[dreg:$0x0] =	wrdreg $0x0  }
0x20: {  	s5 =	sshll.u32 s28, $0x1;
	[dreg:$0x2] =	wrdreg s3  }
0x21: {  	[dreg:$0x3] =	wrdreg s5  }
0x22: {  	[dreg:$0x4] =	wrdreg $0xC0  }
0x23: {  	_ =	task [dreg:s7], $0x5FFFF  }
0x24: {  	[dreg:$0x1] =	wrdreg $0xFFFFFFFF  }
0x25: {  	[dreg:$0x0] =	wrdreg $0x60  }
0x26: {  	[dreg:$0x2] =	wrdreg s2  }
0x27: {  	[dreg:$0x3] =	wrdreg s25  }
0x28: {  	[dreg:$0x4] =	wrdreg $0x9  }
0x29: {  	_ =	task.clear_ibuf [dreg:s7], $0x5FFFF;
	_ =	strace $0x90000046  }
0x2a: {  	s29 =	simm.s32 $0x9;
	_ =	strace $0x80000048  }
0x2b: {  	_ =	swait.ge [sflag:s29], $0x1  }
0x2c: {  	[sflag:s29] =	ssyncadd.s32 $0xFFFFFFFF  }
0x2d: {  	_ =	strace $0x90000048  }
0x2e: {  	_ =	sfence  }
0x2f: {  	s30 =	sld [smem:$0x0];
	_ =	sdelay $0x2  }
0x30: {  	s31 =	sshll.u32 s1, $0xD;
	s1 =	sshrl.u32 s1, $0x2  }
0x31: {  	s3 =	sand.u32 $0x4000, s31;
	s1 =	sadd.s32 s1, s30  }
0x32: {  	s0 =	sor.u32 s3, s0;
	s1 =	sshll.u32 s1, $0x11  }
0x33: {  	s0 =	sor.u32 s1, s0  }
0x34: {  	s0 =	sadd.s32 $0x8F2B, s0  }
0x35: {  	[sflag:s0] =	ssyncadd.remote.s32 $0x1  }
0x36: {  	_ =	sfence.sel $0xFFFF  }
0x37: {  	[dreg:$0x0] =	wrdreg $0xFFFFFFFF;
	(pc) =	sbr.abs _section_cstart, $3  }
0x38: {  	[dreg:$0x1] =	wrdreg $0xFFFFFFFF  }
0x39: {  	_ =	task.clear_ibuf [dreg:s7], $0x2FFFF;
	_ =	strace $0x9FFFFFFF  }
0x3a: {  	(tm) =	ssettm $0x7FFFFFFF  }
0x3b: {  	_ =	shalt  }
tec
execute0_lowered:
.L_overlay_start_1:
0x0: {  	(tag) =	ssettag $0x1  }
0x1: {  	s0 =	srdreg.scid  }
0x2: {  	s1 =	sshll.u32 s0, $0x4  }
0x3: {  	s2 =	rddreg [dreg:$0x0];
	s0 =	stileid.u32;
	s1 =	sand.u32 $0x10, s1  }
0x4: {  	s4 =	rddreg [dreg:$0x1];
	s7 =	simm.s32 $0x1;
	s1 =	sor.u32 s0, s1  }
0x5: {  	s8 =	simm.s32 $0x2;
	s9 =	simm.s32 $0x0;
	s3 =	sshll.u32 s1, $0x2  }
0x6: {  	s12 =	simm.s32 $0x0;
	s11 =	simm.s32 $0x0;
	s6 =	ssub.s32 $0x800, s3  }
.Ltmp0:
0x7: {  	s4 =	sadd.s32 $0x2800, s4;
	s5 =	sand.u32 $0x7C, s6;
	(pc) =	sbr.rel .LBB1_1-.Ltmp0, $4  }
0x8: {  	s1 =	rddreg [dreg:$0x2];
	_ =	strace $0x80000047;
	p0 =	sne.s32 s5, $0x0  }
0x9: {  	s6 =	sshrl.u32 s6, $0x7;
	s5 =	simm.s32 $0x1;
	s7 =	simm.s32 @!p0 $0x0  }
0xa: {  	s10 =	smov.u32 s3;
	[sflag:s5] =	ssyncpa.u1 $0x0;
	s6 =	sadd.s32 s7, s6  }
0xb: {  	[sflag:s8] =	ssyncpa.u1 $0x0;
	s8 =	simm.s32 $0x0;
	s7 =	sadd.s32 $0x1, s6  }
.LBB1_9:
0xc: {  	s14 =	sadd.s32 $0x80, s10  }
0xd: {  	p1 =	sgt.s32 s14, $0x7FF  }
0xe: {  	s14 =	smov.u32 @p1 s3;
	p1 =	sne.s32 s11, s7  }
.Ltmp1:
0xf: {  	p0 =	slt.u32 s11, $0x2;
	(pc) =	sbr.rel @!p1 .LBB1_10-.Ltmp1, $4  }
0x10: {  	s13 =	simm.s32 @!p0 $0x2  }
0x11: {  	s15 =	sadd.s32 $0x1, s11;
	_ =	swait.ge @!p0 [sflag:s13], $0x4000  }
0x12: {  	s12 =	smov.u32 s10;
	s9 =	sadd.s32 $0x4000, s9;
	[sflag:s13] =	ssyncset.done @!p0 $0x0  }
0x13: {  	s11 =	smov.u32 s15;
	s10 =	smov.u32 s14;
	[sflag:s13] =	ssyncadd.s32 @!p0 $0xFFFFC000  }
.LBB1_1:
0x14: {  	p0 =	sge.u32 s11, s6  }
0x15: {  	s13 =	sxor.u32 @!p0 $0xFFFFFFFF, s11  }
0x16: {  	s31 =	sadd.s32 $0xFFFFFFFF, s11;
	s14 =	sshll.u32 @!p0 s10, $0x9;
	s13 =	sshll.u32 @!p0 s13, $0xE  }
0x17: {  	s15 =	simm.s32 @!p0 $0x0;
	s14 =	sadd.s32 @!p0 s2, s14;
	s13 =	sand.u32 @!p0 $0x4000, s13  }
0x18: {  	[tilespmem:s13], [sflag:$0x1] =	stream.linear.gather @!p0 [hbm4b:s14+s15], $0x4000, $0x38;
	[tilespmem:$0x10000] =	vst v63  }
0x19: {  	p0 =	sge.u32 s31, s6  }
.Ltmp2:
0x1a: {  	_ = 	snop;
	(pc) =	sbr.rel @p0 .LBB1_9-.Ltmp2, $1  }
0x1b: {  	_ =	sdelay $0x3  }
0x1c: {  	s14 =	sand.u32 $0x4000, s9  }
0x1d: {  	_ =	swait.ge [sflag:s5], $0x4000;
	s15 =	sshll.u32 s11, $0xE;
	s16 =	simm.s32 $0x0  }
0x1e: {  	s13 =	sor.u32 $0x40, s14;
	[sflag:s5] =	ssyncset.done $0x0;
	s15 =	sand.u32 $0x4000, s15  }
0x1f: {  	s14 =	sor.u32 $0x8040, s14;
	[sflag:s5] =	ssyncadd.s32 $0xFFFFC000;
	s15 =	sor.u32 $0x8000, s15  }
.LBB1_3:
0x20: {  	s17 =	smov.u32 s14;
	s18 =	smov.u32 s13;
	s19 =	simm.s32 $0x0  }
.LBB1_4:
0x21: {  	v0 =	vmov s17;
	v2 =	vld [tilespmem:s18+$0x30]  }
0x22: {  	v4 =	vld [tilespmem:s18+$0xFFFFFFD0]  }
0x23: {  	v6 =	vld [tilespmem:s18+$0xFFFFFFE0]  }
0x24: {  	v7 =	vld [tilespmem:s18+$0xFFFFFFF0]  }
0x25: {  	s20 =	simm.s32 $0x0;
	v1 =	vld [tilespmem:s18+$0x0]  }
0x26: {  	v3 =	vld [tilespmem:s18+$0x10];
	[tilespmem:v0+s20+$0x30 ss:$0x1] =	vst.idx.msk $0xffff, v2  }
0x27: {  	v5 =	vld [tilespmem:s18+$0x20];
	[tilespmem:v0+s20+$0xFFFFFFD0 ss:$0x1] =	vst.idx.msk $0xffff, v4  }
0x28: {  	s21 =	sadd.s32 $0x80, s18;
	v2 =	vld [tilespmem:s18+$0xFFFFFFC0];
	[tilespmem:v0+s20+$0xFFFFFFE0 ss:$0x1] =	vst.idx.msk $0xffff, v6  }
0x29: {  	s22 =	simm.s32 $0x800;
	s23 =	simm.s32 $0x1000;
	v4 =	vld [tilespmem:s21+$0x30];
	[tilespmem:v0+s20+$0xFFFFFFF0 ss:$0x1] =	vst.idx.msk $0xffff, v7  }
.LBB1_5:
0x2a: {  	p0 =	sne.s32 s23, $0x3800;
	v6 =	vld [tilespmem:s21+$0xFFFFFFD0];
	[tilespmem:v0+s20+$0x0 ss:$0x1] =	vst.idx.msk $0xffff, v1  }
0x2b: {  	v7 =	vld [tilespmem:s21+$0xFFFFFFE0];
	[tilespmem:v0+s20+$0x10 ss:$0x1] =	vst.idx.msk $0xffff, v3  }
0x2c: {  	v8 =	vld [tilespmem:s21+$0xFFFFFFF0];
	[tilespmem:v0+s20+$0x20 ss:$0x1] =	vst.idx.msk $0xffff, v5  }
.Ltmp3:
0x2d: {  	v1 =	vld [tilespmem:s21+$0x0];
	[tilespmem:v0+s20+$0xFFFFFFC0 ss:$0x1] =	vst.idx.msk $0xffff, v2;
	s20 =	sshra.s32 s22, $0x2;
	s22 =	smov.u32 s23;
	(pc) =	sbr.rel @p0 .LBB1_5-.Ltmp3, $4  }
0x2e: {  	v3 =	vld [tilespmem:s21+$0x10];
	[tilespmem:v0+s20+$0x30 ss:$0x1] =	vst.idx.msk $0xffff, v4  }
0x2f: {  	[tilespmem:v0+s20+$0xFFFFFFD0 ss:$0x1] =	vst.idx.msk $0xffff, v6;
	v5 =	vld [tilespmem:s21+$0x20]  }
0x30: {  	v2 =	vld [tilespmem:s21+$0xFFFFFFC0];
	[tilespmem:v0+s20+$0xFFFFFFE0 ss:$0x1] =	vst.idx.msk $0xffff, v7;
	s21 =	sadd.s32 $0x80, s21  }
0x31: {  	s23 =	sadd.s32 $0x800, s23;
	v4 =	vld [tilespmem:s21+$0x30];
	[tilespmem:v0+s20+$0xFFFFFFF0 ss:$0x1] =	vst.idx.msk $0xffff, v8  }
0x32: {  	_ =	sdelay $0x3  }
0x33: {  	v6 =	vld [tilespmem:s21+$0xFFFFFFD0];
	[tilespmem:v0+s20+$0x0 ss:$0x1] =	vst.idx.msk $0xffff, v1  }
0x34: {  	v58 =	vld [tilespmem:s21+$0xFFFFFFE0];
	[tilespmem:v0+s20+$0x10 ss:$0x1] =	vst.idx.msk $0xffff, v3  }
0x35: {  	v59 =	vld [tilespmem:s21+$0xFFFFFFF0];
	[tilespmem:v0+s20+$0x20 ss:$0x1] =	vst.idx.msk $0xffff, v5  }
0x36: {  	s22 =	sshra.s32 s22, $0x2;
	v60 =	vld [tilespmem:s21+$0x0];
	[tilespmem:v0+s20+$0xFFFFFFC0 ss:$0x1] =	vst.idx.msk $0xffff, v2  }
0x37: {  	v61 =	vld [tilespmem:s21+$0x10];
	[tilespmem:v0+s22+$0x30 ss:$0x1] =	vst.idx.msk $0xffff, v4  }
0x38: {  	v62 =	vld [tilespmem:s21+$0x20];
	s19 =	sadd.s32 $0x1, s19;
	[tilespmem:v0+s22+$0xFFFFFFD0 ss:$0x1] =	vst.idx.msk $0xffff, v6  }
0x39: {  	v63 =	vld [tilespmem:s21+$0xFFFFFFC0];
	p0 =	sne.s32 s19, $0x4;
	[tilespmem:v0+s22+$0xFFFFFFE0 ss:$0x1] =	vst.idx.msk $0xffff, v58  }
.Ltmp4:
0x3a: {  	[tilespmem:v0+s22+$0xFFFFFFF0 ss:$0x1] =	vst.idx.msk $0xffff, v59;
	(pc) =	sbr.rel @p0 .LBB1_4-.Ltmp4, $4  }
0x3b: {  	[tilespmem:v0+s22+$0x0 ss:$0x1] =	vst.idx.msk $0xffff, v60  }
0x3c: {  	[tilespmem:v0+s22+$0x10 ss:$0x1] =	vst.idx.msk $0xffff, v61  }
0x3d: {  	[tilespmem:v0+s22+$0x20 ss:$0x1] =	vst.idx.msk $0xffff, v62  }
0x3e: {  	s18 =	sadd.s32 $0x400, s18;
	s17 =	sadd.s32 $0x80, s17;
	[tilespmem:v0+s22+$0xFFFFFFC0 ss:$0x1] =	vst.idx.msk $0xffff, v63  }
0x3f: {  	s16 =	sadd.s32 $0x1, s16  }
0x40: {  	p0 =	sne.s32 s16, $0x4  }
.Ltmp5:
0x41: {  	_ = 	snop;
	(pc) =	sbr.rel @p0 .LBB1_3-.Ltmp5, $2  }
0x42: {  	_ =	sdelay $0x2  }
0x43: {  	s13 =	sadd.s32 $0x1000, s13;
	s14 =	sadd.s32 $0x1000, s14  }
.Ltmp6:
0x44: {  	(pc) =	sbr.rel .LBB1_9-.Ltmp6, $4  }
0x45: {  	_ = 	snop  }
0x46: {  	s12 =	sshll.u32 s12, $0x9  }
0x47: {  	s12 =	sadd.s32 s4, s12  }
0x48: {  	[hbm4b:s12+s8] =	stream.linear.scatter [tilespmem:s15], [sflag:$0x2], $0x4000, $0x38;
	[tilespmem:$0x10000] =	vst v63  }
.LBB1_10:
0x49: {  	_ =	sfence.sel $0x180000  }
0x4a: {  	s2 =	simm.s32 $0x1;
	[bflag:$0x0] =	sbarrier.arrive $0xFFFF  }
0x4b: {  	s31 =	simm.s32 $0x2;
	[sflag:s2] =	ssyncpa.u1 $0x1  }
0x4c: {  	[sflag:s31] =	ssyncpa.u1 $0x1  }
0x4d: {  	p0 =	sne.s32 s0, $0x0;
	_ =	strace $0x90000047  }
0x4e: {  	s0 =	sadd.s32 @!p0 $0x100000, s1;
	[bflag:$0x2] =	sbarrier.arrive $0xFFFF  }
0x4f: {  	[sflag:s0] =	ssyncadd.tile.s32 @!p0 $0x1;
	_ =	shalt  }
.Lfunc_end1:
_tile_overlayer_lowered:
.L_overlay_start_2:
0x50: {  	(tag) =	ssettag $0x2  }
0x51: {  	s0 =	rddreg [dreg:$0x0];
	s2 =	stileid.u32  }
0x52: {  	s1 =	rddreg [dreg:$0x1];
	p0 =	sne.s32 s2, $0x0  }
0x53: {  	s3 =	rddreg [dreg:$0x2];
	[bflag:$0x3] =	sbarrier.arrive $0xFFFF;
	s2 =	simm.s32 @!p0 $0x1C01  }
0x54: {  	[timem:s3], [sflag:s2] =	dma.local @!p0 [hbm:s0], s1  }
0x55: {  	s0 =	simm.s32 @!p0 $0x1  }
0x56: {  	_ =	swait.ge @!p0 [sflag:s0], s1  }
0x57: {  	s1 =	ssub.s32 @!p0 $0x0, s1;
	[sflag:s0] =	ssyncset.done @!p0 $0x0  }
0x58: {  	[sflag:s0] =	ssyncadd.s32 @!p0 s1  }
0x59: {  	[bflag:$0x3] =	sbarrier.arrive $0xFFFF  }
0x5a: {  	_ =	shalt  }

</sc_bundles>
